<compile_context>
chip_gen: v7x
topology: tpu7x:2x2x1
jax: 0.10.2.dev20260603
libtpu: 0.0.44.dev20260713+nightly
codegen_flags: <defaults>
</compile_context>

<pallas_src>
import functools

import jax
import jax.numpy as jnp
from jax import lax
from jax.experimental import pallas as pl
from jax.experimental.pallas import tpu as pltpu
from jax.experimental.pallas import tpu_sc as plsc

_D = 128
_CHUNK = 128
_NBUF = 2
_LANES = 16
_GROUPS = _D // _LANES


@functools.lru_cache(maxsize=None)
def _make_partial_kernel(nw: int, nc: int, chunks: int):
  mesh = plsc.VectorSubcoreMesh(core_axis_name="c", subcore_axis_name="s")

  row_bufs = [pltpu.VMEM((3 * _CHUNK, _D), jnp.float32)
              for _ in range(_NBUF)]

  @functools.partial(
      pl.kernel,
      mesh=mesh,
      out_type=jax.ShapeDtypeStruct((nw, _LANES), jnp.float32),
      scratch_types=[
          pltpu.VMEM((chunks * 3 * _CHUNK,), jnp.int32),
          *row_bufs,
          pltpu.VMEM((_LANES,), jnp.float32),
          *[pltpu.SemaphoreType.DMA for _ in range(_NBUF + 2)],
      ],
  )
  def partial_kernel(idx_hbm, emb_hbm, out_hbm, idx, *rest):
    rows = rest[:_NBUF]
    accv = rest[_NBUF]
    sems = rest[_NBUF + 1:]
    sem_idx0 = sems[_NBUF]
    sem_idx = sems[_NBUF + 1]

    wid = lax.axis_index("s") * nc + lax.axis_index("c")
    per = 3 * _CHUNK
    cp_idx0 = pltpu.async_copy(idx_hbm.at[wid, pl.ds(0, per)],
                               idx.at[pl.ds(0, per)], sem_idx0)
    cp_rest = pltpu.async_copy(
        idx_hbm.at[wid, pl.ds(per, (chunks - 1) * per)],
        idx.at[pl.ds(per, (chunks - 1) * per)], sem_idx)

    def fire(j):
      return pltpu.async_copy(emb_hbm.at[idx.at[pl.ds(3 * _CHUNK * j,
                                                      3 * _CHUNK)]],
                              rows[j % _NBUF], sems[j % _NBUF])

    cp_idx0.wait()
    inflight = {0: fire(0)}
    cp_rest.wait()
    acc = tuple(jnp.zeros((_LANES,), jnp.float32) for _ in range(2 * _GROUPS))
    for j in range(chunks):
      if j + 1 < chunks:
        inflight[j + 1] = fire(j + 1)
      inflight.pop(j).wait()
      buf = rows[j % _NBUF]

      def row_body(i, a, buf=buf):
        r0 = 2 * i
        r1 = r0 + 1
        new = list(a)
        for g in range(_GROUPS):
          sl = pl.ds(g * _LANES, _LANES)
          new[g] = new[g] + buf[r0, sl] * (
              buf[_CHUNK + r0, sl] - buf[2 * _CHUNK + r0, sl])
          new[_GROUPS + g] = new[_GROUPS + g] + buf[r1, sl] * (
              buf[_CHUNK + r1, sl] - buf[2 * _CHUNK + r1, sl])
        return tuple(new)

      acc = lax.fori_loop(0, _CHUNK // 2, row_body, acc)

    total = acc[0]
    for g in range(1, 2 * _GROUPS):
      total = total + acc[g]
    accv[...] = total
    pltpu.sync_copy(accv, out_hbm.at[wid])

  return partial_kernel


def kernel(target, context, negative_samples, embeddings):
  b = target.shape[0]
  info = plsc.get_sparse_core_info()
  nw = info.num_cores * info.num_subcores
  per_w = b // nw
  chunks = per_w // _CHUNK
  t = target.reshape(nw, chunks, 1, _CHUNK)
  c = context.reshape(nw, chunks, 1, _CHUNK)
  n = negative_samples.reshape(nw, chunks, 1, _CHUNK)
  comb = jnp.concatenate([t, c, n], axis=2).reshape(nw, chunks * 3 * _CHUNK)
  partials = _make_partial_kernel(nw, info.num_cores, chunks)(
      comb, embeddings)
  return -(jnp.sum(partials) / b)

# --- scband reference (transcript-rebuilt; emitter-appended) ---
"""Pipeline reference for scband-deep-walk-4544075399421 (READ-ONLY COPY).

The authoritative reference and input builder live on the scoring server;
editing this copy changes nothing except your own understanding.
"""

import jax, jax.numpy as jnp
import numpy as np

NUM_NODES = 1000000
EMBED_DIM = 128
BATCH = 16384
NUM_NEG = 1

def setup_inputs(seed: int = 0) -> dict:
    key = jax.random.key(seed)
    k_t, k_c, k_n, k_e = jax.random.split(key, 4)
    target = jax.random.randint(k_t, (BATCH,), 0, NUM_NODES, dtype=jnp.int64 if jax.config.jax_enable_x64 else jnp.int32).astype(jnp.int32)
    context = jax.random.randint(k_c, (BATCH,), 0, NUM_NODES).astype(jnp.int32)
    negative_samples = jax.random.randint(k_n, (BATCH, NUM_NEG), 0, NUM_NODES).astype(jnp.int32)
    embeddings = jax.random.normal(k_e, (NUM_NODES, EMBED_DIM), dtype=jnp.float32) * 0.02
    return {"target": target, "context": context, "negative_samples": negative_samples, "embeddings": embeddings}

def reference(target, context, negative_samples, embeddings):
    # gather embeddings (SparseCore-mappable gathers)
    target_emb = jnp.take(embeddings, target, axis=0)            # [B, D]
    context_emb = jnp.take(embeddings, context, axis=0)          # [B, D]
    positive_loss = jnp.sum(target_emb * context_emb, axis=1)    # [B]
    negative_emb = jnp.take(embeddings, negative_samples, axis=0)  # [B, K, D]
    negative_loss = jnp.sum(target_emb[:, None, :] * negative_emb, axis=2)  # [B, K]
    negative_loss = negative_loss.mean(axis=0)                   # [K] (K=1 broadcasts with [B])
    loss = -jnp.mean(positive_loss - negative_loss)
    return loss

if __name__ == "__main__":
    import jax
    _d = setup_inputs()
    print(jax.jit(kernel)(*tuple(_d.values())))

</pallas_src>

<mosaic_0001>
#map = affine_map<(d0, d1) -> (0, 0)>
module attributes {stable_mosaic.version = 14 : i64} {
  func.func @partial_kernel(%arg0: i32, %arg1: i32, %arg2: memref<32x1536xi32, #tpu.memory_space<hbm>>, %arg3: memref<1000000x128xf32, #tpu.memory_space<hbm>>, %arg4: memref<32x16xf32, #tpu.memory_space<hbm>>, %arg5: memref<1536xi32, #tpu.memory_space<vmem>>, %arg6: memref<384x128xf32, #tpu.memory_space<vmem>>, %arg7: memref<384x128xf32, #tpu.memory_space<vmem>>, %arg8: memref<16xf32, #tpu.memory_space<vmem>>, %arg9: memref<!tpu.dma_semaphore, #tpu.memory_space<semaphore_mem>>, %arg10: memref<!tpu.dma_semaphore, #tpu.memory_space<semaphore_mem>>, %arg11: memref<!tpu.dma_semaphore, #tpu.memory_space<semaphore_mem>>, %arg12: memref<!tpu.dma_semaphore, #tpu.memory_space<semaphore_mem>>) attributes {dimension_semantics = [#tpu.dimension_semantics<core_parallel>, #tpu.dimension_semantics<subcore_parallel>], iteration_bounds = array<i64: 2, 16>, scalar_prefetch = 0 : i64, scratch_operands = 8 : i64, tpu.core_type = #tpu.core_type<sc_vector_subcore>, window_params = [{transform_indices = #map}, {transform_indices = #map}, {transform_indices = #map}]} {
    %mul3A = arith.constant 2 : i32
    %mul3A_0 = arith.muli %arg1, %mul3A : i32
    %add3A = arith.addi %mul3A_0, %arg0 : i32
    %dma_start3A = arith.constant 0 : i32
    %dma_start3A_1 = tpu.memref_slice %arg5[%dma_start3A] : memref<1536xi32, #tpu.memory_space<vmem>> -> memref<384xi32, #tpu.memory_space<vmem>>
    %dma_start3A_2 = arith.constant 0 : i32
    %dma_start3A_3 = tpu.memref_slice %arg2[%add3A, %dma_start3A_2] : memref<32x1536xi32, #tpu.memory_space<hbm>> -> memref<1x384xi32, #tpu.memory_space<hbm>>
    %dma_start3A_4 = tpu.memref_squeeze %dma_start3A_3 : memref<1x384xi32, #tpu.memory_space<hbm>> -> memref<384xi32, #tpu.memory_space<hbm>>
    %dma_start3A_5 = arith.constant 0 : i32
    %dma_start3A_6 = tpu.memref_slice %arg5[%dma_start3A_5] : memref<1536xi32, #tpu.memory_space<vmem>> -> memref<384xi32, #tpu.memory_space<vmem>>
    %dma_start3A_7 = arith.constant 0 : i32
    %dma_start3A_8 = tpu.memref_slice %arg2[%add3A, %dma_start3A_7] : memref<32x1536xi32, #tpu.memory_space<hbm>> -> memref<1x384xi32, #tpu.memory_space<hbm>>
    %dma_start3A_9 = tpu.memref_squeeze %dma_start3A_8 : memref<1x384xi32, #tpu.memory_space<hbm>> -> memref<384xi32, #tpu.memory_space<hbm>>
    tpu.enqueue_dma source(%dma_start3A_9 : memref<384xi32, #tpu.memory_space<hbm>>) target(%dma_start3A_6 : memref<384xi32, #tpu.memory_space<vmem>>) target_semaphore(%arg11 : memref<!tpu.dma_semaphore, #tpu.memory_space<semaphore_mem>>)
    %dma_start3A_10 = arith.constant 384 : i32
    %dma_start3A_11 = tpu.memref_slice %arg5[%dma_start3A_10] : memref<1536xi32, #tpu.memory_space<vmem>> -> memref<1152xi32, #tpu.memory_space<vmem>>
    %dma_start3A_12 = arith.constant 384 : i32
    %dma_start3A_13 = tpu.memref_slice %arg2[%add3A, %dma_start3A_12] : memref<32x1536xi32, #tpu.memory_space<hbm>> -> memref<1x1152xi32, #tpu.memory_space<hbm>>
    %dma_start3A_14 = tpu.memref_squeeze %dma_start3A_13 : memref<1x1152xi32, #tpu.memory_space<hbm>> -> memref<1152xi32, #tpu.memory_space<hbm>>
    %dma_start3A_15 = arith.constant 384 : i32
    %dma_start3A_16 = tpu.memref_slice %arg5[%dma_start3A_15] : memref<1536xi32, #tpu.memory_space<vmem>> -> memref<1152xi32, #tpu.memory_space<vmem>>
    %dma_start3A_17 = arith.constant 384 : i32
    %dma_start3A_18 = tpu.memref_slice %arg2[%add3A, %dma_start3A_17] : memref<32x1536xi32, #tpu.memory_space<hbm>> -> memref<1x1152xi32, #tpu.memory_space<hbm>>
    %dma_start3A_19 = tpu.memref_squeeze %dma_start3A_18 : memref<1x1152xi32, #tpu.memory_space<hbm>> -> memref<1152xi32, #tpu.memory_space<hbm>>
    tpu.enqueue_dma source(%dma_start3A_19 : memref<1152xi32, #tpu.memory_space<hbm>>) target(%dma_start3A_16 : memref<1152xi32, #tpu.memory_space<vmem>>) target_semaphore(%arg12 : memref<!tpu.dma_semaphore, #tpu.memory_space<semaphore_mem>>)
    %dma_wait3A = arith.constant 0 : i32
    %dma_wait3A_20 = tpu.memref_slice %arg5[%dma_wait3A] : memref<1536xi32, #tpu.memory_space<vmem>> -> memref<384xi32, #tpu.memory_space<vmem>>
    %dma_wait3A_21 = arith.constant 0 : i32
    %dma_wait3A_22 = tpu.memref_slice %arg2[%add3A, %dma_wait3A_21] : memref<32x1536xi32, #tpu.memory_space<hbm>> -> memref<1x384xi32, #tpu.memory_space<hbm>>
    %dma_wait3A_23 = tpu.memref_squeeze %dma_wait3A_22 : memref<1x384xi32, #tpu.memory_space<hbm>> -> memref<384xi32, #tpu.memory_space<hbm>>
    %dma_wait3A_24 = arith.constant 0 : i32
    %dma_wait3A_25 = tpu.memref_slice %arg5[%dma_wait3A_24] : memref<1536xi32, #tpu.memory_space<vmem>> -> memref<384xi32, #tpu.memory_space<vmem>>
    %dma_wait3A_26 = arith.constant 0 : i32
    %dma_wait3A_27 = tpu.memref_slice %arg2[%add3A, %dma_wait3A_26] : memref<32x1536xi32, #tpu.memory_space<hbm>> -> memref<1x384xi32, #tpu.memory_space<hbm>>
    %dma_wait3A_28 = tpu.memref_squeeze %dma_wait3A_27 : memref<1x384xi32, #tpu.memory_space<hbm>> -> memref<384xi32, #tpu.memory_space<hbm>>
    tpu.wait_dma2 semaphore(%arg11 : memref<!tpu.dma_semaphore, #tpu.memory_space<semaphore_mem>>) src(%dma_wait3A_28 : memref<384xi32, #tpu.memory_space<hbm>>) dst(%dma_wait3A_25 : memref<384xi32, #tpu.memory_space<vmem>>)
    %dma_start3A_29 = arith.constant 0 : i32
    %dma_start3A_30 = tpu.memref_slice %arg5[%dma_start3A_29] : memref<1536xi32, #tpu.memory_space<vmem>> -> memref<384xi32, #tpu.memory_space<vmem>>
    %dma_start3A_31 = arith.constant 0 : i32
    %dma_start3A_32 = arith.constant 0 : i32
    %dma_start3A_33 = tpu.memref_slice %arg3[%dma_start3A_31, %dma_start3A_32] : memref<1000000x128xf32, #tpu.memory_space<hbm>> -> memref<1000000x128xf32, #tpu.memory_space<hbm>>
    tpu.enqueue_indirect_dma source(%dma_start3A_33 : memref<1000000x128xf32, #tpu.memory_space<hbm>>) target(%arg6 : memref<384x128xf32, #tpu.memory_space<vmem>>) offsets(%dma_start3A_30 : memref<384xi32, #tpu.memory_space<vmem>>) semaphore(%arg9 : memref<!tpu.dma_semaphore, #tpu.memory_space<semaphore_mem>>)
    %dma_wait3A_34 = arith.constant 384 : i32
    %dma_wait3A_35 = tpu.memref_slice %arg5[%dma_wait3A_34] : memref<1536xi32, #tpu.memory_space<vmem>> -> memref<1152xi32, #tpu.memory_space<vmem>>
    %dma_wait3A_36 = arith.constant 384 : i32
    %dma_wait3A_37 = tpu.memref_slice %arg2[%add3A, %dma_wait3A_36] : memref<32x1536xi32, #tpu.memory_space<hbm>> -> memref<1x1152xi32, #tpu.memory_space<hbm>>
    %dma_wait3A_38 = tpu.memref_squeeze %dma_wait3A_37 : memref<1x1152xi32, #tpu.memory_space<hbm>> -> memref<1152xi32, #tpu.memory_space<hbm>>
    %dma_wait3A_39 = arith.constant 384 : i32
    %dma_wait3A_40 = tpu.memref_slice %arg5[%dma_wait3A_39] : memref<1536xi32, #tpu.memory_space<vmem>> -> memref<1152xi32, #tpu.memory_space<vmem>>
    %dma_wait3A_41 = arith.constant 384 : i32
    %dma_wait3A_42 = tpu.memref_slice %arg2[%add3A, %dma_wait3A_41] : memref<32x1536xi32, #tpu.memory_space<hbm>> -> memref<1x1152xi32, #tpu.memory_space<hbm>>
    %dma_wait3A_43 = tpu.memref_squeeze %dma_wait3A_42 : memref<1x1152xi32, #tpu.memory_space<hbm>> -> memref<1152xi32, #tpu.memory_space<hbm>>
    tpu.wait_dma2 semaphore(%arg12 : memref<!tpu.dma_semaphore, #tpu.memory_space<semaphore_mem>>) src(%dma_wait3A_43 : memref<1152xi32, #tpu.memory_space<hbm>>) dst(%dma_wait3A_40 : memref<1152xi32, #tpu.memory_space<vmem>>)
    %broadcast_in_dim3A = arith.constant 0.000000e+00 : f32
    %broadcast_in_dim3A_44 = vector.broadcast %broadcast_in_dim3A : f32 to vector<16xf32>
    %broadcast_in_dim3A_45 = arith.constant 0.000000e+00 : f32
    %broadcast_in_dim3A_46 = vector.broadcast %broadcast_in_dim3A_45 : f32 to vector<16xf32>
    %broadcast_in_dim3A_47 = arith.constant 0.000000e+00 : f32
    %broadcast_in_dim3A_48 = vector.broadcast %broadcast_in_dim3A_47 : f32 to vector<16xf32>
    %broadcast_in_dim3A_49 = arith.constant 0.000000e+00 : f32
    %broadcast_in_dim3A_50 = vector.broadcast %broadcast_in_dim3A_49 : f32 to vector<16xf32>
    %broadcast_in_dim3A_51 = arith.constant 0.000000e+00 : f32
    %broadcast_in_dim3A_52 = vector.broadcast %broadcast_in_dim3A_51 : f32 to vector<16xf32>
    %broadcast_in_dim3A_53 = arith.constant 0.000000e+00 : f32
    %broadcast_in_dim3A_54 = vector.broadcast %broadcast_in_dim3A_53 : f32 to vector<16xf32>
    %broadcast_in_dim3A_55 = arith.constant 0.000000e+00 : f32
    %broadcast_in_dim3A_56 = vector.broadcast %broadcast_in_dim3A_55 : f32 to vector<16xf32>
    %broadcast_in_dim3A_57 = arith.constant 0.000000e+00 : f32
    %broadcast_in_dim3A_58 = vector.broadcast %broadcast_in_dim3A_57 : f32 to vector<16xf32>
    %broadcast_in_dim3A_59 = arith.constant 0.000000e+00 : f32
    %broadcast_in_dim3A_60 = vector.broadcast %broadcast_in_dim3A_59 : f32 to vector<16xf32>
    %broadcast_in_dim3A_61 = arith.constant 0.000000e+00 : f32
    %broadcast_in_dim3A_62 = vector.broadcast %broadcast_in_dim3A_61 : f32 to vector<16xf32>
    %broadcast_in_dim3A_63 = arith.constant 0.000000e+00 : f32
    %broadcast_in_dim3A_64 = vector.broadcast %broadcast_in_dim3A_63 : f32 to vector<16xf32>
    %broadcast_in_dim3A_65 = arith.constant 0.000000e+00 : f32
    %broadcast_in_dim3A_66 = vector.broadcast %broadcast_in_dim3A_65 : f32 to vector<16xf32>
    %broadcast_in_dim3A_67 = arith.constant 0.000000e+00 : f32
    %broadcast_in_dim3A_68 = vector.broadcast %broadcast_in_dim3A_67 : f32 to vector<16xf32>
    %broadcast_in_dim3A_69 = arith.constant 0.000000e+00 : f32
    %broadcast_in_dim3A_70 = vector.broadcast %broadcast_in_dim3A_69 : f32 to vector<16xf32>
    %broadcast_in_dim3A_71 = arith.constant 0.000000e+00 : f32
    %broadcast_in_dim3A_72 = vector.broadcast %broadcast_in_dim3A_71 : f32 to vector<16xf32>
    %broadcast_in_dim3A_73 = arith.constant 0.000000e+00 : f32
    %broadcast_in_dim3A_74 = vector.broadcast %broadcast_in_dim3A_73 : f32 to vector<16xf32>
    %dma_start3A_75 = arith.constant 384 : i32
    %dma_start3A_76 = tpu.memref_slice %arg5[%dma_start3A_75] : memref<1536xi32, #tpu.memory_space<vmem>> -> memref<384xi32, #tpu.memory_space<vmem>>
    %dma_start3A_77 = arith.constant 0 : i32
    %dma_start3A_78 = arith.constant 0 : i32
    %dma_start3A_79 = tpu.memref_slice %arg3[%dma_start3A_77, %dma_start3A_78] : memref<1000000x128xf32, #tpu.memory_space<hbm>> -> memref<1000000x128xf32, #tpu.memory_space<hbm>>
    tpu.enqueue_indirect_dma source(%dma_start3A_79 : memref<1000000x128xf32, #tpu.memory_space<hbm>>) target(%arg7 : memref<384x128xf32, #tpu.memory_space<vmem>>) offsets(%dma_start3A_76 : memref<384xi32, #tpu.memory_space<vmem>>) semaphore(%arg10 : memref<!tpu.dma_semaphore, #tpu.memory_space<semaphore_mem>>)
    %dma_wait3A_80 = arith.constant 0 : i32
    %dma_wait3A_81 = tpu.memref_slice %arg5[%dma_wait3A_80] : memref<1536xi32, #tpu.memory_space<vmem>> -> memref<384xi32, #tpu.memory_space<vmem>>
    %dma_wait3A_82 = arith.constant 0 : i32
    %dma_wait3A_83 = arith.constant 0 : i32
    %dma_wait3A_84 = tpu.memref_slice %arg3[%dma_wait3A_82, %dma_wait3A_83] : memref<1000000x128xf32, #tpu.memory_space<hbm>> -> memref<1000000x128xf32, #tpu.memory_space<hbm>>
    tpu.wait_indirect_dma semaphore(%arg9 : memref<!tpu.dma_semaphore, #tpu.memory_space<semaphore_mem>>) src(%dma_wait3A_84 : memref<1000000x128xf32, #tpu.memory_space<hbm>>) dst(%arg6 : memref<384x128xf32, #tpu.memory_space<vmem>>)
    %scan3A = arith.constant 0 : i32
    %scan3A_85 = arith.constant 64 : i32
    %scan3A_86 = arith.addi %scan3A, %scan3A_85 : i32
    %scan3A_87 = arith.constant 1 : i32
    %scan3A_88:16 = scf.for %scan3A_151 = %scan3A to %scan3A_86 step %scan3A_87 iter_args(%scan3A_152 = %broadcast_in_dim3A_44, %scan3A_153 = %broadcast_in_dim3A_46, %scan3A_154 = %broadcast_in_dim3A_48, %scan3A_155 = %broadcast_in_dim3A_50, %scan3A_156 = %broadcast_in_dim3A_52, %scan3A_157 = %broadcast_in_dim3A_54, %scan3A_158 = %broadcast_in_dim3A_56, %scan3A_159 = %broadcast_in_dim3A_58, %scan3A_160 = %broadcast_in_dim3A_60, %scan3A_161 = %broadcast_in_dim3A_62, %scan3A_162 = %broadcast_in_dim3A_64, %scan3A_163 = %broadcast_in_dim3A_66, %scan3A_164 = %broadcast_in_dim3A_68, %scan3A_165 = %broadcast_in_dim3A_70, %scan3A_166 = %broadcast_in_dim3A_72, %scan3A_167 = %broadcast_in_dim3A_74) -> (vector<16xf32>, vector<16xf32>, vector<16xf32>, vector<16xf32>, vector<16xf32>, vector<16xf32>, vector<16xf32>, vector<16xf32>, vector<16xf32>, vector<16xf32>, vector<16xf32>, vector<16xf32>, vector<16xf32>, vector<16xf32>, vector<16xf32>, vector<16xf32>)  : i32 {
      %mul3A_168 = arith.constant 2 : i32
      %mul3A_169 = arith.muli %mul3A_168, %scan3A_151 : i32
      %add3A_170 = arith.constant 1 : i32
      %add3A_171 = arith.addi %mul3A_169, %add3A_170 : i32
      %get3A = arith.index_cast %mul3A_169 : i32 to index
      %get3A_172 = arith.constant 0 : index
      %get3A_173 = tpu.vector_load %arg6[%get3A, %get3A_172] {strides = array<i32>} : memref<384x128xf32, #tpu.memory_space<vmem>>, vector<1x16xf32>,
      %get3A_174 = vector.shape_cast %get3A_173 : vector<1x16xf32> to vector<16xf32>
      %add3A_175 = arith.constant 128 : i32
      %add3A_176 = arith.addi %add3A_175, %mul3A_169 : i32
      %get3A_177 = arith.index_cast %add3A_176 : i32 to index
      %get3A_178 = arith.constant 0 : index
      %get3A_179 = tpu.vector_load %arg6[%get3A_177, %get3A_178] {strides = array<i32>} : memref<384x128xf32, #tpu.memory_space<vmem>>, vector<1x16xf32>,
      %get3A_180 = vector.shape_cast %get3A_179 : vector<1x16xf32> to vector<16xf32>
      %add3A_181 = arith.constant 256 : i32
      %add3A_182 = arith.addi %add3A_181, %mul3A_169 : i32
      %get3A_183 = arith.index_cast %add3A_182 : i32 to index
      %get3A_184 = arith.constant 0 : index
      %get3A_185 = tpu.vector_load %arg6[%get3A_183, %get3A_184] {strides = array<i32>} : memref<384x128xf32, #tpu.memory_space<vmem>>, vector<1x16xf32>,
      %get3A_186 = vector.shape_cast %get3A_185 : vector<1x16xf32> to vector<16xf32>
      %sub3A = arith.subf %get3A_180, %get3A_186 : vector<16xf32>
      %mul3A_187 = arith.mulf %get3A_174, %sub3A : vector<16xf32>
      %add3A_188 = arith.addf %scan3A_152, %mul3A_187 : vector<16xf32>
      %get3A_189 = arith.index_cast %add3A_171 : i32 to index
      %get3A_190 = arith.constant 0 : index
      %get3A_191 = tpu.vector_load %arg6[%get3A_189, %get3A_190] {strides = array<i32>} : memref<384x128xf32, #tpu.memory_space<vmem>>, vector<1x16xf32>,
      %get3A_192 = vector.shape_cast %get3A_191 : vector<1x16xf32> to vector<16xf32>
      %add3A_193 = arith.constant 128 : i32
      %add3A_194 = arith.addi %add3A_193, %add3A_171 : i32
      %get3A_195 = arith.index_cast %add3A_194 : i32 to index
      %get3A_196 = arith.constant 0 : index
      %get3A_197 = tpu.vector_load %arg6[%get3A_195, %get3A_196] {strides = array<i32>} : memref<384x128xf32, #tpu.memory_space<vmem>>, vector<1x16xf32>,
      %get3A_198 = vector.shape_cast %get3A_197 : vector<1x16xf32> to vector<16xf32>
      %add3A_199 = arith.constant 256 : i32
      %add3A_200 = arith.addi %add3A_199, %add3A_171 : i32
      %get3A_201 = arith.index_cast %add3A_200 : i32 to index
      %get3A_202 = arith.constant 0 : index
      %get3A_203 = tpu.vector_load %arg6[%get3A_201, %get3A_202] {strides = array<i32>} : memref<384x128xf32, #tpu.memory_space<vmem>>, vector<1x16xf32>,
      %get3A_204 = vector.shape_cast %get3A_203 : vector<1x16xf32> to vector<16xf32>
      %sub3A_205 = arith.subf %get3A_198, %get3A_204 : vector<16xf32>
      %mul3A_206 = arith.mulf %get3A_192, %sub3A_205 : vector<16xf32>
      %add3A_207 = arith.addf %scan3A_160, %mul3A_206 : vector<16xf32>
      %get3A_208 = arith.index_cast %mul3A_169 : i32 to index
      %get3A_209 = arith.constant 16 : index
      %get3A_210 = tpu.vector_load %arg6[%get3A_208, %get3A_209] {strides = array<i32>} : memref<384x128xf32, #tpu.memory_space<vmem>>, vector<1x16xf32>,
      %get3A_211 = vector.shape_cast %get3A_210 : vector<1x16xf32> to vector<16xf32>
      %add3A_212 = arith.constant 128 : i32
      %add3A_213 = arith.addi %add3A_212, %mul3A_169 : i32
      %get3A_214 = arith.index_cast %add3A_213 : i32 to index
      %get3A_215 = arith.constant 16 : index
      %get3A_216 = tpu.vector_load %arg6[%get3A_214, %get3A_215] {strides = array<i32>} : memref<384x128xf32, #tpu.memory_space<vmem>>, vector<1x16xf32>,
      %get3A_217 = vector.shape_cast %get3A_216 : vector<1x16xf32> to vector<16xf32>
      %add3A_218 = arith.constant 256 : i32
      %add3A_219 = arith.addi %add3A_218, %mul3A_169 : i32
      %get3A_220 = arith.index_cast %add3A_219 : i32 to index
      %get3A_221 = arith.constant 16 : index
      %get3A_222 = tpu.vector_load %arg6[%get3A_220, %get3A_221] {strides = array<i32>} : memref<384x128xf32, #tpu.memory_space<vmem>>, vector<1x16xf32>,
      %get3A_223 = vector.shape_cast %get3A_222 : vector<1x16xf32> to vector<16xf32>
      %sub3A_224 = arith.subf %get3A_217, %get3A_223 : vector<16xf32>
      %mul3A_225 = arith.mulf %get3A_211, %sub3A_224 : vector<16xf32>
      %add3A_226 = arith.addf %scan3A_153, %mul3A_225 : vector<16xf32>
      %get3A_227 = arith.index_cast %add3A_171 : i32 to index
      %get3A_228 = arith.constant 16 : index
      %get3A_229 = tpu.vector_load %arg6[%get3A_227, %get3A_228] {strides = array<i32>} : memref<384x128xf32, #tpu.memory_space<vmem>>, vector<1x16xf32>,
      %get3A_230 = vector.shape_cast %get3A_229 : vector<1x16xf32> to vector<16xf32>
      %add3A_231 = arith.constant 128 : i32
      %add3A_232 = arith.addi %add3A_231, %add3A_171 : i32
      %get3A_233 = arith.index_cast %add3A_232 : i32 to index
      %get3A_234 = arith.constant 16 : index
      %get3A_235 = tpu.vector_load %arg6[%get3A_233, %get3A_234] {strides = array<i32>} : memref<384x128xf32, #tpu.memory_space<vmem>>, vector<1x16xf32>,
      %get3A_236 = vector.shape_cast %get3A_235 : vector<1x16xf32> to vector<16xf32>
      %add3A_237 = arith.constant 256 : i32
      %add3A_238 = arith.addi %add3A_237, %add3A_171 : i32
      %get3A_239 = arith.index_cast %add3A_238 : i32 to index
      %get3A_240 = arith.constant 16 : index
      %get3A_241 = tpu.vector_load %arg6[%get3A_239, %get3A_240] {strides = array<i32>} : memref<384x128xf32, #tpu.memory_space<vmem>>, vector<1x16xf32>,
      %get3A_242 = vector.shape_cast %get3A_241 : vector<1x16xf32> to vector<16xf32>
      %sub3A_243 = arith.subf %get3A_236, %get3A_242 : vector<16xf32>
      %mul3A_244 = arith.mulf %get3A_230, %sub3A_243 : vector<16xf32>
      %add3A_245 = arith.addf %scan3A_161, %mul3A_244 : vector<16xf32>
      %get3A_246 = arith.index_cast %mul3A_169 : i32 to index
      %get3A_247 = arith.constant 32 : index
      %get3A_248 = tpu.vector_load %arg6[%get3A_246, %get3A_247] {strides = array<i32>} : memref<384x128xf32, #tpu.memory_space<vmem>>, vector<1x16xf32>,
      %get3A_249 = vector.shape_cast %get3A_248 : vector<1x16xf32> to vector<16xf32>
      %add3A_250 = arith.constant 128 : i32
      %add3A_251 = arith.addi %add3A_250, %mul3A_169 : i32
      %get3A_252 = arith.index_cast %add3A_251 : i32 to index
      %get3A_253 = arith.constant 32 : index
      %get3A_254 = tpu.vector_load %arg6[%get3A_252, %get3A_253] {strides = array<i32>} : memref<384x128xf32, #tpu.memory_space<vmem>>, vector<1x16xf32>,
      %get3A_255 = vector.shape_cast %get3A_254 : vector<1x16xf32> to vector<16xf32>
      %add3A_256 = arith.constant 256 : i32
      %add3A_257 = arith.addi %add3A_256, %mul3A_169 : i32
      %get3A_258 = arith.index_cast %add3A_257 : i32 to index
      %get3A_259 = arith.constant 32 : index
      %get3A_260 = tpu.vector_load %arg6[%get3A_258, %get3A_259] {strides = array<i32>} : memref<384x128xf32, #tpu.memory_space<vmem>>, vector<1x16xf32>,
      %get3A_261 = vector.shape_cast %get3A_260 : vector<1x16xf32> to vector<16xf32>
      %sub3A_262 = arith.subf %get3A_255, %get3A_261 : vector<16xf32>
      %mul3A_263 = arith.mulf %get3A_249, %sub3A_262 : vector<16xf32>
      %add3A_264 = arith.addf %scan3A_154, %mul3A_263 : vector<16xf32>
      %get3A_265 = arith.index_cast %add3A_171 : i32 to index
      %get3A_266 = arith.constant 32 : index
      %get3A_267 = tpu.vector_load %arg6[%get3A_265, %get3A_266] {strides = array<i32>} : memref<384x128xf32, #tpu.memory_space<vmem>>, vector<1x16xf32>,
      %get3A_268 = vector.shape_cast %get3A_267 : vector<1x16xf32> to vector<16xf32>
      %add3A_269 = arith.constant 128 : i32
      %add3A_270 = arith.addi %add3A_269, %add3A_171 : i32
      %get3A_271 = arith.index_cast %add3A_270 : i32 to index
      %get3A_272 = arith.constant 32 : index
      %get3A_273 = tpu.vector_load %arg6[%get3A_271, %get3A_272] {strides = array<i32>} : memref<384x128xf32, #tpu.memory_space<vmem>>, vector<1x16xf32>,
      %get3A_274 = vector.shape_cast %get3A_273 : vector<1x16xf32> to vector<16xf32>
      %add3A_275 = arith.constant 256 : i32
      %add3A_276 = arith.addi %add3A_275, %add3A_171 : i32
      %get3A_277 = arith.index_cast %add3A_276 : i32 to index
      %get3A_278 = arith.constant 32 : index
      %get3A_279 = tpu.vector_load %arg6[%get3A_277, %get3A_278] {strides = array<i32>} : memref<384x128xf32, #tpu.memory_space<vmem>>, vector<1x16xf32>,
      %get3A_280 = vector.shape_cast %get3A_279 : vector<1x16xf32> to vector<16xf32>
      %sub3A_281 = arith.subf %get3A_274, %get3A_280 : vector<16xf32>
      %mul3A_282 = arith.mulf %get3A_268, %sub3A_281 : vector<16xf32>
      %add3A_283 = arith.addf %scan3A_162, %mul3A_282 : vector<16xf32>
      %get3A_284 = arith.index_cast %mul3A_169 : i32 to index
      %get3A_285 = arith.constant 48 : index
      %get3A_286 = tpu.vector_load %arg6[%get3A_284, %get3A_285] {strides = array<i32>} : memref<384x128xf32, #tpu.memory_space<vmem>>, vector<1x16xf32>,
      %get3A_287 = vector.shape_cast %get3A_286 : vector<1x16xf32> to vector<16xf32>
      %add3A_288 = arith.constant 128 : i32
      %add3A_289 = arith.addi %add3A_288, %mul3A_169 : i32
      %get3A_290 = arith.index_cast %add3A_289 : i32 to index
      %get3A_291 = arith.constant 48 : index
      %get3A_292 = tpu.vector_load %arg6[%get3A_290, %get3A_291] {strides = array<i32>} : memref<384x128xf32, #tpu.memory_space<vmem>>, vector<1x16xf32>,
      %get3A_293 = vector.shape_cast %get3A_292 : vector<1x16xf32> to vector<16xf32>
      %add3A_294 = arith.constant 256 : i32
      %add3A_295 = arith.addi %add3A_294, %mul3A_169 : i32
      %get3A_296 = arith.index_cast %add3A_295 : i32 to index
      %get3A_297 = arith.constant 48 : index
      %get3A_298 = tpu.vector_load %arg6[%get3A_296, %get3A_297] {strides = array<i32>} : memref<384x128xf32, #tpu.memory_space<vmem>>, vector<1x16xf32>,
      %get3A_299 = vector.shape_cast %get3A_298 : vector<1x16xf32> to vector<16xf32>
      %sub3A_300 = arith.subf %get3A_293, %get3A_299 : vector<16xf32>
      %mul3A_301 = arith.mulf %get3A_287, %sub3A_300 : vector<16xf32>
      %add3A_302 = arith.addf %scan3A_155, %mul3A_301 : vector<16xf32>
      %get3A_303 = arith.index_cast %add3A_171 : i32 to index
      %get3A_304 = arith.constant 48 : index
      %get3A_305 = tpu.vector_load %arg6[%get3A_303, %get3A_304] {strides = array<i32>} : memref<384x128xf32, #tpu.memory_space<vmem>>, vector<1x16xf32>,
      %get3A_306 = vector.shape_cast %get3A_305 : vector<1x16xf32> to vector<16xf32>
      %add3A_307 = arith.constant 128 : i32
      %add3A_308 = arith.addi %add3A_307, %add3A_171 : i32
      %get3A_309 = arith.index_cast %add3A_308 : i32 to index
      %get3A_310 = arith.constant 48 : index
      %get3A_311 = tpu.vector_load %arg6[%get3A_309, %get3A_310] {strides = array<i32>} : memref<384x128xf32, #tpu.memory_space<vmem>>, vector<1x16xf32>,
      %get3A_312 = vector.shape_cast %get3A_311 : vector<1x16xf32> to vector<16xf32>
      %add3A_313 = arith.constant 256 : i32
      %add3A_314 = arith.addi %add3A_313, %add3A_171 : i32
      %get3A_315 = arith.index_cast %add3A_314 : i32 to index
      %get3A_316 = arith.constant 48 : index
      %get3A_317 = tpu.vector_load %arg6[%get3A_315, %get3A_316] {strides = array<i32>} : memref<384x128xf32, #tpu.memory_space<vmem>>, vector<1x16xf32>,
      %get3A_318 = vector.shape_cast %get3A_317 : vector<1x16xf32> to vector<16xf32>
      %sub3A_319 = arith.subf %get3A_312, %get3A_318 : vector<16xf32>
      %mul3A_320 = arith.mulf %get3A_306, %sub3A_319 : vector<16xf32>
      %add3A_321 = arith.addf %scan3A_163, %mul3A_320 : vector<16xf32>
      %get3A_322 = arith.index_cast %mul3A_169 : i32 to index
      %get3A_323 = arith.constant 64 : index
      %get3A_324 = tpu.vector_load %arg6[%get3A_322, %get3A_323] {strides = array<i32>} : memref<384x128xf32, #tpu.memory_space<vmem>>, vector<1x16xf32>,
      %get3A_325 = vector.shape_cast %get3A_324 : vector<1x16xf32> to vector<16xf32>
      %add3A_326 = arith.constant 128 : i32
      %add3A_327 = arith.addi %add3A_326, %mul3A_169 : i32
      %get3A_328 = arith.index_cast %add3A_327 : i32 to index
      %get3A_329 = arith.constant 64 : index
      %get3A_330 = tpu.vector_load %arg6[%get3A_328, %get3A_329] {strides = array<i32>} : memref<384x128xf32, #tpu.memory_space<vmem>>, vector<1x16xf32>,
      %get3A_331 = vector.shape_cast %get3A_330 : vector<1x16xf32> to vector<16xf32>
      %add3A_332 = arith.constant 256 : i32
      %add3A_333 = arith.addi %add3A_332, %mul3A_169 : i32
      %get3A_334 = arith.index_cast %add3A_333 : i32 to index
      %get3A_335 = arith.constant 64 : index
      %get3A_336 = tpu.vector_load %arg6[%get3A_334, %get3A_335] {strides = array<i32>} : memref<384x128xf32, #tpu.memory_space<vmem>>, vector<1x16xf32>,
      %get3A_337 = vector.shape_cast %get3A_336 : vector<1x16xf32> to vector<16xf32>
      %sub3A_338 = arith.subf %get3A_331, %get3A_337 : vector<16xf32>
      %mul3A_339 = arith.mulf %get3A_325, %sub3A_338 : vector<16xf32>
      %add3A_340 = arith.addf %scan3A_156, %mul3A_339 : vector<16xf32>
      %get3A_341 = arith.index_cast %add3A_171 : i32 to index
      %get3A_342 = arith.constant 64 : index
      %get3A_343 = tpu.vector_load %arg6[%get3A_341, %get3A_342] {strides = array<i32>} : memref<384x128xf32, #tpu.memory_space<vmem>>, vector<1x16xf32>,
      %get3A_344 = vector.shape_cast %get3A_343 : vector<1x16xf32> to vector<16xf32>
      %add3A_345 = arith.constant 128 : i32
      %add3A_346 = arith.addi %add3A_345, %add3A_171 : i32
      %get3A_347 = arith.index_cast %add3A_346 : i32 to index
      %get3A_348 = arith.constant 64 : index
      %get3A_349 = tpu.vector_load %arg6[%get3A_347, %get3A_348] {strides = array<i32>} : memref<384x128xf32, #tpu.memory_space<vmem>>, vector<1x16xf32>,
      %get3A_350 = vector.shape_cast %get3A_349 : vector<1x16xf32> to vector<16xf32>
      %add3A_351 = arith.constant 256 : i32
      %add3A_352 = arith.addi %add3A_351, %add3A_171 : i32
      %get3A_353 = arith.index_cast %add3A_352 : i32 to index
      %get3A_354 = arith.constant 64 : index
      %get3A_355 = tpu.vector_load %arg6[%get3A_353, %get3A_354] {strides = array<i32>} : memref<384x128xf32, #tpu.memory_space<vmem>>, vector<1x16xf32>,
      %get3A_356 = vector.shape_cast %get3A_355 : vector<1x16xf32> to vector<16xf32>
      %sub3A_357 = arith.subf %get3A_350, %get3A_356 : vector<16xf32>
      %mul3A_358 = arith.mulf %get3A_344, %sub3A_357 : vector<16xf32>
      %add3A_359 = arith.addf %scan3A_164, %mul3A_358 : vector<16xf32>
      %get3A_360 = arith.index_cast %mul3A_169 : i32 to index
      %get3A_361 = arith.constant 80 : index
      %get3A_362 = tpu.vector_load %arg6[%get3A_360, %get3A_361] {strides = array<i32>} : memref<384x128xf32, #tpu.memory_space<vmem>>, vector<1x16xf32>,
      %get3A_363 = vector.shape_cast %get3A_362 : vector<1x16xf32> to vector<16xf32>
      %add3A_364 = arith.constant 128 : i32
      %add3A_365 = arith.addi %add3A_364, %mul3A_169 : i32
      %get3A_366 = arith.index_cast %add3A_365 : i32 to index
      %get3A_367 = arith.constant 80 : index
      %get3A_368 = tpu.vector_load %arg6[%get3A_366, %get3A_367] {strides = array<i32>} : memref<384x128xf32, #tpu.memory_space<vmem>>, vector<1x16xf32>,
      %get3A_369 = vector.shape_cast %get3A_368 : vector<1x16xf32> to vector<16xf32>
      %add3A_370 = arith.constant 256 : i32
      %add3A_371 = arith.addi %add3A_370, %mul3A_169 : i32
      %get3A_372 = arith.index_cast %add3A_371 : i32 to index
      %get3A_373 = arith.constant 80 : index
      %get3A_374 = tpu.vector_load %arg6[%get3A_372, %get3A_373] {strides = array<i32>} : memref<384x128xf32, #tpu.memory_space<vmem>>, vector<1x16xf32>,
      %get3A_375 = vector.shape_cast %get3A_374 : vector<1x16xf32> to vector<16xf32>
      %sub3A_376 = arith.subf %get3A_369, %get3A_375 : vector<16xf32>
      %mul3A_377 = arith.mulf %get3A_363, %sub3A_376 : vector<16xf32>
      %add3A_378 = arith.addf %scan3A_157, %mul3A_377 : vector<16xf32>
      %get3A_379 = arith.index_cast %add3A_171 : i32 to index
      %get3A_380 = arith.constant 80 : index
      %get3A_381 = tpu.vector_load %arg6[%get3A_379, %get3A_380] {strides = array<i32>} : memref<384x128xf32, #tpu.memory_space<vmem>>, vector<1x16xf32>,
      %get3A_382 = vector.shape_cast %get3A_381 : vector<1x16xf32> to vector<16xf32>
      %add3A_383 = arith.constant 128 : i32
      %add3A_384 = arith.addi %add3A_383, %add3A_171 : i32
      %get3A_385 = arith.index_cast %add3A_384 : i32 to index
      %get3A_386 = arith.constant 80 : index
      %get3A_387 = tpu.vector_load %arg6[%get3A_385, %get3A_386] {strides = array<i32>} : memref<384x128xf32, #tpu.memory_space<vmem>>, vector<1x16xf32>,
      %get3A_388 = vector.shape_cast %get3A_387 : vector<1x16xf32> to vector<16xf32>
      %add3A_389 = arith.constant 256 : i32
      %add3A_390 = arith.addi %add3A_389, %add3A_171 : i32
      %get3A_391 = arith.index_cast %add3A_390 : i32 to index
      %get3A_392 = arith.constant 80 : index
      %get3A_393 = tpu.vector_load %arg6[%get3A_391, %get3A_392] {strides = array<i32>} : memref<384x128xf32, #tpu.memory_space<vmem>>, vector<1x16xf32>,
      %get3A_394 = vector.shape_cast %get3A_393 : vector<1x16xf32> to vector<16xf32>
      %sub3A_395 = arith.subf %get3A_388, %get3A_394 : vector<16xf32>
      %mul3A_396 = arith.mulf %get3A_382, %sub3A_395 : vector<16xf32>
      %add3A_397 = arith.addf %scan3A_165, %mul3A_396 : vector<16xf32>
      %get3A_398 = arith.index_cast %mul3A_169 : i32 to index
      %get3A_399 = arith.constant 96 : index
      %get3A_400 = tpu.vector_load %arg6[%get3A_398, %get3A_399] {strides = array<i32>} : memref<384x128xf32, #tpu.memory_space<vmem>>, vector<1x16xf32>,
      %get3A_401 = vector.shape_cast %get3A_400 : vector<1x16xf32> to vector<16xf32>
      %add3A_402 = arith.constant 128 : i32
      %add3A_403 = arith.addi %add3A_402, %mul3A_169 : i32
      %get3A_404 = arith.index_cast %add3A_403 : i32 to index
      %get3A_405 = arith.constant 96 : index
      %get3A_406 = tpu.vector_load %arg6[%get3A_404, %get3A_405] {strides = array<i32>} : memref<384x128xf32, #tpu.memory_space<vmem>>, vector<1x16xf32>,
      %get3A_407 = vector.shape_cast %get3A_406 : vector<1x16xf32> to vector<16xf32>
      %add3A_408 = arith.constant 256 : i32
      %add3A_409 = arith.addi %add3A_408, %mul3A_169 : i32
      %get3A_410 = arith.index_cast %add3A_409 : i32 to index
      %get3A_411 = arith.constant 96 : index
      %get3A_412 = tpu.vector_load %arg6[%get3A_410, %get3A_411] {strides = array<i32>} : memref<384x128xf32, #tpu.memory_space<vmem>>, vector<1x16xf32>,
      %get3A_413 = vector.shape_cast %get3A_412 : vector<1x16xf32> to vector<16xf32>
      %sub3A_414 = arith.subf %get3A_407, %get3A_413 : vector<16xf32>
      %mul3A_415 = arith.mulf %get3A_401, %sub3A_414 : vector<16xf32>
      %add3A_416 = arith.addf %scan3A_158, %mul3A_415 : vector<16xf32>
      %get3A_417 = arith.index_cast %add3A_171 : i32 to index
      %get3A_418 = arith.constant 96 : index
      %get3A_419 = tpu.vector_load %arg6[%get3A_417, %get3A_418] {strides = array<i32>} : memref<384x128xf32, #tpu.memory_space<vmem>>, vector<1x16xf32>,
      %get3A_420 = vector.shape_cast %get3A_419 : vector<1x16xf32> to vector<16xf32>
      %add3A_421 = arith.constant 128 : i32
      %add3A_422 = arith.addi %add3A_421, %add3A_171 : i32
      %get3A_423 = arith.index_cast %add3A_422 : i32 to index
      %get3A_424 = arith.constant 96 : index
      %get3A_425 = tpu.vector_load %arg6[%get3A_423, %get3A_424] {strides = array<i32>} : memref<384x128xf32, #tpu.memory_space<vmem>>, vector<1x16xf32>,
      %get3A_426 = vector.shape_cast %get3A_425 : vector<1x16xf32> to vector<16xf32>
      %add3A_427 = arith.constant 256 : i32
      %add3A_428 = arith.addi %add3A_427, %add3A_171 : i32
      %get3A_429 = arith.index_cast %add3A_428 : i32 to index
      %get3A_430 = arith.constant 96 : index
      %get3A_431 = tpu.vector_load %arg6[%get3A_429, %get3A_430] {strides = array<i32>} : memref<384x128xf32, #tpu.memory_space<vmem>>, vector<1x16xf32>,
      %get3A_432 = vector.shape_cast %get3A_431 : vector<1x16xf32> to vector<16xf32>
      %sub3A_433 = arith.subf %get3A_426, %get3A_432 : vector<16xf32>
      %mul3A_434 = arith.mulf %get3A_420, %sub3A_433 : vector<16xf32>
      %add3A_435 = arith.addf %scan3A_166, %mul3A_434 : vector<16xf32>
      %get3A_436 = arith.index_cast %mul3A_169 : i32 to index
      %get3A_437 = arith.constant 112 : index
      %get3A_438 = tpu.vector_load %arg6[%get3A_436, %get3A_437] {strides = array<i32>} : memref<384x128xf32, #tpu.memory_space<vmem>>, vector<1x16xf32>,
      %get3A_439 = vector.shape_cast %get3A_438 : vector<1x16xf32> to vector<16xf32>
      %add3A_440 = arith.constant 128 : i32
      %add3A_441 = arith.addi %add3A_440, %mul3A_169 : i32
      %get3A_442 = arith.index_cast %add3A_441 : i32 to index
      %get3A_443 = arith.constant 112 : index
      %get3A_444 = tpu.vector_load %arg6[%get3A_442, %get3A_443] {strides = array<i32>} : memref<384x128xf32, #tpu.memory_space<vmem>>, vector<1x16xf32>,
      %get3A_445 = vector.shape_cast %get3A_444 : vector<1x16xf32> to vector<16xf32>
      %add3A_446 = arith.constant 256 : i32
      %add3A_447 = arith.addi %add3A_446, %mul3A_169 : i32
      %get3A_448 = arith.index_cast %add3A_447 : i32 to index
      %get3A_449 = arith.constant 112 : index
      %get3A_450 = tpu.vector_load %arg6[%get3A_448, %get3A_449] {strides = array<i32>} : memref<384x128xf32, #tpu.memory_space<vmem>>, vector<1x16xf32>,
      %get3A_451 = vector.shape_cast %get3A_450 : vector<1x16xf32> to vector<16xf32>
      %sub3A_452 = arith.subf %get3A_445, %get3A_451 : vector<16xf32>
      %mul3A_453 = arith.mulf %get3A_439, %sub3A_452 : vector<16xf32>
      %add3A_454 = arith.addf %scan3A_159, %mul3A_453 : vector<16xf32>
      %get3A_455 = arith.index_cast %add3A_171 : i32 to index
      %get3A_456 = arith.constant 112 : index
      %get3A_457 = tpu.vector_load %arg6[%get3A_455, %get3A_456] {strides = array<i32>} : memref<384x128xf32, #tpu.memory_space<vmem>>, vector<1x16xf32>,
      %get3A_458 = vector.shape_cast %get3A_457 : vector<1x16xf32> to vector<16xf32>
      %add3A_459 = arith.constant 128 : i32
      %add3A_460 = arith.addi %add3A_459, %add3A_171 : i32
      %get3A_461 = arith.index_cast %add3A_460 : i32 to index
      %get3A_462 = arith.constant 112 : index
      %get3A_463 = tpu.vector_load %arg6[%get3A_461, %get3A_462] {strides = array<i32>} : memref<384x128xf32, #tpu.memory_space<vmem>>, vector<1x16xf32>,
      %get3A_464 = vector.shape_cast %get3A_463 : vector<1x16xf32> to vector<16xf32>
      %add3A_465 = arith.constant 256 : i32
      %add3A_466 = arith.addi %add3A_465, %add3A_171 : i32
      %get3A_467 = arith.index_cast %add3A_466 : i32 to index
      %get3A_468 = arith.constant 112 : index
      %get3A_469 = tpu.vector_load %arg6[%get3A_467, %get3A_468] {strides = array<i32>} : memref<384x128xf32, #tpu.memory_space<vmem>>, vector<1x16xf32>,
      %get3A_470 = vector.shape_cast %get3A_469 : vector<1x16xf32> to vector<16xf32>
      %sub3A_471 = arith.subf %get3A_464, %get3A_470 : vector<16xf32>
      %mul3A_472 = arith.mulf %get3A_458, %sub3A_471 : vector<16xf32>
      %add3A_473 = arith.addf %scan3A_167, %mul3A_472 : vector<16xf32>
      scf.yield %add3A_188, %add3A_226, %add3A_264, %add3A_302, %add3A_340, %add3A_378, %add3A_416, %add3A_454, %add3A_207, %add3A_245, %add3A_283, %add3A_321, %add3A_359, %add3A_397, %add3A_435, %add3A_473 : vector<16xf32>, vector<16xf32>, vector<16xf32>, vector<16xf32>, vector<16xf32>, vector<16xf32>, vector<16xf32>, vector<16xf32>, vector<16xf32>, vector<16xf32>, vector<16xf32>, vector<16xf32>, vector<16xf32>, vector<16xf32>, vector<16xf32>, vector<16xf32>
    }
    %scan3A_89 = arith.constant 64 : i32
    %dma_start3A_90 = arith.constant 768 : i32
    %dma_start3A_91 = tpu.memref_slice %arg5[%dma_start3A_90] : memref<1536xi32, #tpu.memory_space<vmem>> -> memref<384xi32, #tpu.memory_space<vmem>>
    %dma_start3A_92 = arith.constant 0 : i32
    %dma_start3A_93 = arith.constant 0 : i32
    %dma_start3A_94 = tpu.memref_slice %arg3[%dma_start3A_92, %dma_start3A_93] : memref<1000000x128xf32, #tpu.memory_space<hbm>> -> memref<1000000x128xf32, #tpu.memory_space<hbm>>
    tpu.enqueue_indirect_dma source(%dma_start3A_94 : memref<1000000x128xf32, #tpu.memory_space<hbm>>) target(%arg6 : memref<384x128xf32, #tpu.memory_space<vmem>>) offsets(%dma_start3A_91 : memref<384xi32, #tpu.memory_space<vmem>>) semaphore(%arg9 : memref<!tpu.dma_semaphore, #tpu.memory_space<semaphore_mem>>)
    %dma_wait3A_95 = arith.constant 384 : i32
    %dma_wait3A_96 = tpu.memref_slice %arg5[%dma_wait3A_95] : memref<1536xi32, #tpu.memory_space<vmem>> -> memref<384xi32, #tpu.memory_space<vmem>>
    %dma_wait3A_97 = arith.constant 0 : i32
    %dma_wait3A_98 = arith.constant 0 : i32
    %dma_wait3A_99 = tpu.memref_slice %arg3[%dma_wait3A_97, %dma_wait3A_98] : memref<1000000x128xf32, #tpu.memory_space<hbm>> -> memref<1000000x128xf32, #tpu.memory_space<hbm>>
    tpu.wait_indirect_dma semaphore(%arg10 : memref<!tpu.dma_semaphore, #tpu.memory_space<semaphore_mem>>) src(%dma_wait3A_99 : memref<1000000x128xf32, #tpu.memory_space<hbm>>) dst(%arg7 : memref<384x128xf32, #tpu.memory_space<vmem>>)
    %scan3A_100 = arith.constant 0 : i32
    %scan3A_101 = arith.constant 64 : i32
    %scan3A_102 = arith.addi %scan3A_100, %scan3A_101 : i32
    %scan3A_103 = arith.constant 1 : i32
    %scan3A_104:16 = scf.for %scan3A_151 = %scan3A_100 to %scan3A_102 step %scan3A_103 iter_args(%scan3A_152 = %scan3A_88#0, %scan3A_153 = %scan3A_88#1, %scan3A_154 = %scan3A_88#2, %scan3A_155 = %scan3A_88#3, %scan3A_156 = %scan3A_88#4, %scan3A_157 = %scan3A_88#5, %scan3A_158 = %scan3A_88#6, %scan3A_159 = %scan3A_88#7, %scan3A_160 = %scan3A_88#8, %scan3A_161 = %scan3A_88#9, %scan3A_162 = %scan3A_88#10, %scan3A_163 = %scan3A_88#11, %scan3A_164 = %scan3A_88#12, %scan3A_165 = %scan3A_88#13, %scan3A_166 = %scan3A_88#14, %scan3A_167 = %scan3A_88#15) -> (vector<16xf32>, vector<16xf32>, vector<16xf32>, vector<16xf32>, vector<16xf32>, vector<16xf32>, vector<16xf32>, vector<16xf32>, vector<16xf32>, vector<16xf32>, vector<16xf32>, vector<16xf32>, vector<16xf32>, vector<16xf32>, vector<16xf32>, vector<16xf32>)  : i32 {
      %mul3A_168 = arith.constant 2 : i32
      %mul3A_169 = arith.muli %mul3A_168, %scan3A_151 : i32
      %add3A_170 = arith.constant 1 : i32
      %add3A_171 = arith.addi %mul3A_169, %add3A_170 : i32
      %get3A = arith.index_cast %mul3A_169 : i32 to index
      %get3A_172 = arith.constant 0 : index
      %get3A_173 = tpu.vector_load %arg7[%get3A, %get3A_172] {strides = array<i32>} : memref<384x128xf32, #tpu.memory_space<vmem>>, vector<1x16xf32>,
      %get3A_174 = vector.shape_cast %get3A_173 : vector<1x16xf32> to vector<16xf32>
      %add3A_175 = arith.constant 128 : i32
      %add3A_176 = arith.addi %add3A_175, %mul3A_169 : i32
      %get3A_177 = arith.index_cast %add3A_176 : i32 to index
      %get3A_178 = arith.constant 0 : index
      %get3A_179 = tpu.vector_load %arg7[%get3A_177, %get3A_178] {strides = array<i32>} : memref<384x128xf32, #tpu.memory_space<vmem>>, vector<1x16xf32>,
      %get3A_180 = vector.shape_cast %get3A_179 : vector<1x16xf32> to vector<16xf32>
      %add3A_181 = arith.constant 256 : i32
      %add3A_182 = arith.addi %add3A_181, %mul3A_169 : i32
      %get3A_183 = arith.index_cast %add3A_182 : i32 to index
      %get3A_184 = arith.constant 0 : index
      %get3A_185 = tpu.vector_load %arg7[%get3A_183, %get3A_184] {strides = array<i32>} : memref<384x128xf32, #tpu.memory_space<vmem>>, vector<1x16xf32>,
      %get3A_186 = vector.shape_cast %get3A_185 : vector<1x16xf32> to vector<16xf32>
      %sub3A = arith.subf %get3A_180, %get3A_186 : vector<16xf32>
      %mul3A_187 = arith.mulf %get3A_174, %sub3A : vector<16xf32>
      %add3A_188 = arith.addf %scan3A_152, %mul3A_187 : vector<16xf32>
      %get3A_189 = arith.index_cast %add3A_171 : i32 to index
      %get3A_190 = arith.constant 0 : index
      %get3A_191 = tpu.vector_load %arg7[%get3A_189, %get3A_190] {strides = array<i32>} : memref<384x128xf32, #tpu.memory_space<vmem>>, vector<1x16xf32>,
      %get3A_192 = vector.shape_cast %get3A_191 : vector<1x16xf32> to vector<16xf32>
      %add3A_193 = arith.constant 128 : i32
      %add3A_194 = arith.addi %add3A_193, %add3A_171 : i32
      %get3A_195 = arith.index_cast %add3A_194 : i32 to index
      %get3A_196 = arith.constant 0 : index
      %get3A_197 = tpu.vector_load %arg7[%get3A_195, %get3A_196] {strides = array<i32>} : memref<384x128xf32, #tpu.memory_space<vmem>>, vector<1x16xf32>,
      %get3A_198 = vector.shape_cast %get3A_197 : vector<1x16xf32> to vector<16xf32>
      %add3A_199 = arith.constant 256 : i32
      %add3A_200 = arith.addi %add3A_199, %add3A_171 : i32
      %get3A_201 = arith.index_cast %add3A_200 : i32 to index
      %get3A_202 = arith.constant 0 : index
      %get3A_203 = tpu.vector_load %arg7[%get3A_201, %get3A_202] {strides = array<i32>} : memref<384x128xf32, #tpu.memory_space<vmem>>, vector<1x16xf32>,
      %get3A_204 = vector.shape_cast %get3A_203 : vector<1x16xf32> to vector<16xf32>
      %sub3A_205 = arith.subf %get3A_198, %get3A_204 : vector<16xf32>
      %mul3A_206 = arith.mulf %get3A_192, %sub3A_205 : vector<16xf32>
      %add3A_207 = arith.addf %scan3A_160, %mul3A_206 : vector<16xf32>
      %get3A_208 = arith.index_cast %mul3A_169 : i32 to index
      %get3A_209 = arith.constant 16 : index
      %get3A_210 = tpu.vector_load %arg7[%get3A_208, %get3A_209] {strides = array<i32>} : memref<384x128xf32, #tpu.memory_space<vmem>>, vector<1x16xf32>,
      %get3A_211 = vector.shape_cast %get3A_210 : vector<1x16xf32> to vector<16xf32>
      %add3A_212 = arith.constant 128 : i32
      %add3A_213 = arith.addi %add3A_212, %mul3A_169 : i32
      %get3A_214 = arith.index_cast %add3A_213 : i32 to index
      %get3A_215 = arith.constant 16 : index
      %get3A_216 = tpu.vector_load %arg7[%get3A_214, %get3A_215] {strides = array<i32>} : memref<384x128xf32, #tpu.memory_space<vmem>>, vector<1x16xf32>,
      %get3A_217 = vector.shape_cast %get3A_216 : vector<1x16xf32> to vector<16xf32>
      %add3A_218 = arith.constant 256 : i32
      %add3A_219 = arith.addi %add3A_218, %mul3A_169 : i32
      %get3A_220 = arith.index_cast %add3A_219 : i32 to index
      %get3A_221 = arith.constant 16 : index
      %get3A_222 = tpu.vector_load %arg7[%get3A_220, %get3A_221] {strides = array<i32>} : memref<384x128xf32, #tpu.memory_space<vmem>>, vector<1x16xf32>,
      %get3A_223 = vector.shape_cast %get3A_222 : vector<1x16xf32> to vector<16xf32>
      %sub3A_224 = arith.subf %get3A_217, %get3A_223 : vector<16xf32>
      %mul3A_225 = arith.mulf %get3A_211, %sub3A_224 : vector<16xf32>
      %add3A_226 = arith.addf %scan3A_153, %mul3A_225 : vector<16xf32>
      %get3A_227 = arith.index_cast %add3A_171 : i32 to index
      %get3A_228 = arith.constant 16 : index
      %get3A_229 = tpu.vector_load %arg7[%get3A_227, %get3A_228] {strides = array<i32>} : memref<384x128xf32, #tpu.memory_space<vmem>>, vector<1x16xf32>,
      %get3A_230 = vector.shape_cast %get3A_229 : vector<1x16xf32> to vector<16xf32>
      %add3A_231 = arith.constant 128 : i32
      %add3A_232 = arith.addi %add3A_231, %add3A_171 : i32
      %get3A_233 = arith.index_cast %add3A_232 : i32 to index
      %get3A_234 = arith.constant 16 : index
      %get3A_235 = tpu.vector_load %arg7[%get3A_233, %get3A_234] {strides = array<i32>} : memref<384x128xf32, #tpu.memory_space<vmem>>, vector<1x16xf32>,
      %get3A_236 = vector.shape_cast %get3A_235 : vector<1x16xf32> to vector<16xf32>
      %add3A_237 = arith.constant 256 : i32
      %add3A_238 = arith.addi %add3A_237, %add3A_171 : i32
      %get3A_239 = arith.index_cast %add3A_238 : i32 to index
      %get3A_240 = arith.constant 16 : index
      %get3A_241 = tpu.vector_load %arg7[%get3A_239, %get3A_240] {strides = array<i32>} : memref<384x128xf32, #tpu.memory_space<vmem>>, vector<1x16xf32>,
      %get3A_242 = vector.shape_cast %get3A_241 : vector<1x16xf32> to vector<16xf32>
      %sub3A_243 = arith.subf %get3A_236, %get3A_242 : vector<16xf32>
      %mul3A_244 = arith.mulf %get3A_230, %sub3A_243 : vector<16xf32>
      %add3A_245 = arith.addf %scan3A_161, %mul3A_244 : vector<16xf32>
      %get3A_246 = arith.index_cast %mul3A_169 : i32 to index
      %get3A_247 = arith.constant 32 : index
      %get3A_248 = tpu.vector_load %arg7[%get3A_246, %get3A_247] {strides = array<i32>} : memref<384x128xf32, #tpu.memory_space<vmem>>, vector<1x16xf32>,
      %get3A_249 = vector.shape_cast %get3A_248 : vector<1x16xf32> to vector<16xf32>
      %add3A_250 = arith.constant 128 : i32
      %add3A_251 = arith.addi %add3A_250, %mul3A_169 : i32
      %get3A_252 = arith.index_cast %add3A_251 : i32 to index
      %get3A_253 = arith.constant 32 : index
      %get3A_254 = tpu.vector_load %arg7[%get3A_252, %get3A_253] {strides = array<i32>} : memref<384x128xf32, #tpu.memory_space<vmem>>, vector<1x16xf32>,
      %get3A_255 = vector.shape_cast %get3A_254 : vector<1x16xf32> to vector<16xf32>
      %add3A_256 = arith.constant 256 : i32
      %add3A_257 = arith.addi %add3A_256, %mul3A_169 : i32
      %get3A_258 = arith.index_cast %add3A_257 : i32 to index
      %get3A_259 = arith.constant 32 : index
      %get3A_260 = tpu.vector_load %arg7[%get3A_258, %get3A_259] {strides = array<i32>} : memref<384x128xf32, #tpu.memory_space<vmem>>, vector<1x16xf32>,
      %get3A_261 = vector.shape_cast %get3A_260 : vector<1x16xf32> to vector<16xf32>
      %sub3A_262 = arith.subf %get3A_255, %get3A_261 : vector<16xf32>
      %mul3A_263 = arith.mulf %get3A_249, %sub3A_262 : vector<16xf32>
      %add3A_264 = arith.addf %scan3A_154, %mul3A_263 : vector<16xf32>
      %get3A_265 = arith.index_cast %add3A_171 : i32 to index
      %get3A_266 = arith.constant 32 : index
      %get3A_267 = tpu.vector_load %arg7[%get3A_265, %get3A_266] {strides = array<i32>} : memref<384x128xf32, #tpu.memory_space<vmem>>, vector<1x16xf32>,
      %get3A_268 = vector.shape_cast %get3A_267 : vector<1x16xf32> to vector<16xf32>
      %add3A_269 = arith.constant 128 : i32
      %add3A_270 = arith.addi %add3A_269, %add3A_171 : i32
      %get3A_271 = arith.index_cast %add3A_270 : i32 to index
      %get3A_272 = arith.constant 32 : index
      %get3A_273 = tpu.vector_load %arg7[%get3A_271, %get3A_272] {strides = array<i32>} : memref<384x128xf32, #tpu.memory_space<vmem>>, vector<1x16xf32>,
      %get3A_274 = vector.shape_cast %get3A_273 : vector<1x16xf32> to vector<16xf32>
      %add3A_275 = arith.constant 256 : i32
      %add3A_276 = arith.addi %add3A_275, %add3A_171 : i32
      %get3A_277 = arith.index_cast %add3A_276 : i32 to index
      %get3A_278 = arith.constant 32 : index
      %get3A_279 = tpu.vector_load %arg7[%get3A_277, %get3A_278] {strides = array<i32>} : memref<384x128xf32, #tpu.memory_space<vmem>>, vector<1x16xf32>,
      %get3A_280 = vector.shape_cast %get3A_279 : vector<1x16xf32> to vector<16xf32>
      %sub3A_281 = arith.subf %get3A_274, %get3A_280 : vector<16xf32>
      %mul3A_282 = arith.mulf %get3A_268, %sub3A_281 : vector<16xf32>
      %add3A_283 = arith.addf %scan3A_162, %mul3A_282 : vector<16xf32>
      %get3A_284 = arith.index_cast %mul3A_169 : i32 to index
      %get3A_285 = arith.constant 48 : index
      %get3A_286 = tpu.vector_load %arg7[%get3A_284, %get3A_285] {strides = array<i32>} : memref<384x128xf32, #tpu.memory_space<vmem>>, vector<1x16xf32>,
      %get3A_287 = vector.shape_cast %get3A_286 : vector<1x16xf32> to vector<16xf32>
      %add3A_288 = arith.constant 128 : i32
      %add3A_289 = arith.addi %add3A_288, %mul3A_169 : i32
      %get3A_290 = arith.index_cast %add3A_289 : i32 to index
      %get3A_291 = arith.constant 48 : index
      %get3A_292 = tpu.vector_load %arg7[%get3A_290, %get3A_291] {strides = array<i32>} : memref<384x128xf32, #tpu.memory_space<vmem>>, vector<1x16xf32>,
      %get3A_293 = vector.shape_cast %get3A_292 : vector<1x16xf32> to vector<16xf32>
      %add3A_294 = arith.constant 256 : i32
      %add3A_295 = arith.addi %add3A_294, %mul3A_169 : i32
      %get3A_296 = arith.index_cast %add3A_295 : i32 to index
      %get3A_297 = arith.constant 48 : index
      %get3A_298 = tpu.vector_load %arg7[%get3A_296, %get3A_297] {strides = array<i32>} : memref<384x128xf32, #tpu.memory_space<vmem>>, vector<1x16xf32>,
      %get3A_299 = vector.shape_cast %get3A_298 : vector<1x16xf32> to vector<16xf32>
      %sub3A_300 = arith.subf %get3A_293, %get3A_299 : vector<16xf32>
      %mul3A_301 = arith.mulf %get3A_287, %sub3A_300 : vector<16xf32>
      %add3A_302 = arith.addf %scan3A_155, %mul3A_301 : vector<16xf32>
      %get3A_303 = arith.index_cast %add3A_171 : i32 to index
      %get3A_304 = arith.constant 48 : index
      %get3A_305 = tpu.vector_load %arg7[%get3A_303, %get3A_304] {strides = array<i32>} : memref<384x128xf32, #tpu.memory_space<vmem>>, vector<1x16xf32>,
      %get3A_306 = vector.shape_cast %get3A_305 : vector<1x16xf32> to vector<16xf32>
      %add3A_307 = arith.constant 128 : i32
      %add3A_308 = arith.addi %add3A_307, %add3A_171 : i32
      %get3A_309 = arith.index_cast %add3A_308 : i32 to index
      %get3A_310 = arith.constant 48 : index
      %get3A_311 = tpu.vector_load %arg7[%get3A_309, %get3A_310] {strides = array<i32>} : memref<384x128xf32, #tpu.memory_space<vmem>>, vector<1x16xf32>,
      %get3A_312 = vector.shape_cast %get3A_311 : vector<1x16xf32> to vector<16xf32>
      %add3A_313 = arith.constant 256 : i32
      %add3A_314 = arith.addi %add3A_313, %add3A_171 : i32
      %get3A_315 = arith.index_cast %add3A_314 : i32 to index
      %get3A_316 = arith.constant 48 : index
      %get3A_317 = tpu.vector_load %arg7[%get3A_315, %get3A_316] {strides = array<i32>} : memref<384x128xf32, #tpu.memory_space<vmem>>, vector<1x16xf32>,
      %get3A_318 = vector.shape_cast %get3A_317 : vector<1x16xf32> to vector<16xf32>
      %sub3A_319 = arith.subf %get3A_312, %get3A_318 : vector<16xf32>
      %mul3A_320 = arith.mulf %get3A_306, %sub3A_319 : vector<16xf32>
      %add3A_321 = arith.addf %scan3A_163, %mul3A_320 : vector<16xf32>
      %get3A_322 = arith.index_cast %mul3A_169 : i32 to index
      %get3A_323 = arith.constant 64 : index
      %get3A_324 = tpu.vector_load %arg7[%get3A_322, %get3A_323] {strides = array<i32>} : memref<384x128xf32, #tpu.memory_space<vmem>>, vector<1x16xf32>,
      %get3A_325 = vector.shape_cast %get3A_324 : vector<1x16xf32> to vector<16xf32>
      %add3A_326 = arith.constant 128 : i32
      %add3A_327 = arith.addi %add3A_326, %mul3A_169 : i32
      %get3A_328 = arith.index_cast %add3A_327 : i32 to index
      %get3A_329 = arith.constant 64 : index
      %get3A_330 = tpu.vector_load %arg7[%get3A_328, %get3A_329] {strides = array<i32>} : memref<384x128xf32, #tpu.memory_space<vmem>>, vector<1x16xf32>,
      %get3A_331 = vector.shape_cast %get3A_330 : vector<1x16xf32> to vector<16xf32>
      %add3A_332 = arith.constant 256 : i32
      %add3A_333 = arith.addi %add3A_332, %mul3A_169 : i32
      %get3A_334 = arith.index_cast %add3A_333 : i32 to index
      %get3A_335 = arith.constant 64 : index
      %get3A_336 = tpu.vector_load %arg7[%get3A_334, %get3A_335] {strides = array<i32>} : memref<384x128xf32, #tpu.memory_space<vmem>>, vector<1x16xf32>,
      %get3A_337 = vector.shape_cast %get3A_336 : vector<1x16xf32> to vector<16xf32>
      %sub3A_338 = arith.subf %get3A_331, %get3A_337 : vector<16xf32>
      %mul3A_339 = arith.mulf %get3A_325, %sub3A_338 : vector<16xf32>
      %add3A_340 = arith.addf %scan3A_156, %mul3A_339 : vector<16xf32>
      %get3A_341 = arith.index_cast %add3A_171 : i32 to index
      %get3A_342 = arith.constant 64 : index
      %get3A_343 = tpu.vector_load %arg7[%get3A_341, %get3A_342] {strides = array<i32>} : memref<384x128xf32, #tpu.memory_space<vmem>>, vector<1x16xf32>,
      %get3A_344 = vector.shape_cast %get3A_343 : vector<1x16xf32> to vector<16xf32>
      %add3A_345 = arith.constant 128 : i32
      %add3A_346 = arith.addi %add3A_345, %add3A_171 : i32
      %get3A_347 = arith.index_cast %add3A_346 : i32 to index
      %get3A_348 = arith.constant 64 : index
      %get3A_349 = tpu.vector_load %arg7[%get3A_347, %get3A_348] {strides = array<i32>} : memref<384x128xf32, #tpu.memory_space<vmem>>, vector<1x16xf32>,
      %get3A_350 = vector.shape_cast %get3A_349 : vector<1x16xf32> to vector<16xf32>
      %add3A_351 = arith.constant 256 : i32
      %add3A_352 = arith.addi %add3A_351, %add3A_171 : i32
      %get3A_353 = arith.index_cast %add3A_352 : i32 to index
      %get3A_354 = arith.constant 64 : index
      %get3A_355 = tpu.vector_load %arg7[%get3A_353, %get3A_354] {strides = array<i32>} : memref<384x128xf32, #tpu.memory_space<vmem>>, vector<1x16xf32>,
      %get3A_356 = vector.shape_cast %get3A_355 : vector<1x16xf32> to vector<16xf32>
      %sub3A_357 = arith.subf %get3A_350, %get3A_356 : vector<16xf32>
      %mul3A_358 = arith.mulf %get3A_344, %sub3A_357 : vector<16xf32>
      %add3A_359 = arith.addf %scan3A_164, %mul3A_358 : vector<16xf32>
      %get3A_360 = arith.index_cast %mul3A_169 : i32 to index
      %get3A_361 = arith.constant 80 : index
      %get3A_362 = tpu.vector_load %arg7[%get3A_360, %get3A_361] {strides = array<i32>} : memref<384x128xf32, #tpu.memory_space<vmem>>, vector<1x16xf32>,
      %get3A_363 = vector.shape_cast %get3A_362 : vector<1x16xf32> to vector<16xf32>
      %add3A_364 = arith.constant 128 : i32
      %add3A_365 = arith.addi %add3A_364, %mul3A_169 : i32
      %get3A_366 = arith.index_cast %add3A_365 : i32 to index
      %get3A_367 = arith.constant 80 : index
      %get3A_368 = tpu.vector_load %arg7[%get3A_366, %get3A_367] {strides = array<i32>} : memref<384x128xf32, #tpu.memory_space<vmem>>, vector<1x16xf32>,
      %get3A_369 = vector.shape_cast %get3A_368 : vector<1x16xf32> to vector<16xf32>
      %add3A_370 = arith.constant 256 : i32
      %add3A_371 = arith.addi %add3A_370, %mul3A_169 : i32
      %get3A_372 = arith.index_cast %add3A_371 : i32 to index
      %get3A_373 = arith.constant 80 : index
      %get3A_374 = tpu.vector_load %arg7[%get3A_372, %get3A_373] {strides = array<i32>} : memref<384x128xf32, #tpu.memory_space<vmem>>, vector<1x16xf32>,
      %get3A_375 = vector.shape_cast %get3A_374 : vector<1x16xf32> to vector<16xf32>
      %sub3A_376 = arith.subf %get3A_369, %get3A_375 : vector<16xf32>
      %mul3A_377 = arith.mulf %get3A_363, %sub3A_376 : vector<16xf32>
      %add3A_378 = arith.addf %scan3A_157, %mul3A_377 : vector<16xf32>
      %get3A_379 = arith.index_cast %add3A_171 : i32 to index
      %get3A_380 = arith.constant 80 : index
      %get3A_381 = tpu.vector_load %arg7[%get3A_379, %get3A_380] {strides = array<i32>} : memref<384x128xf32, #tpu.memory_space<vmem>>, vector<1x16xf32>,
      %get3A_382 = vector.shape_cast %get3A_381 : vector<1x16xf32> to vector<16xf32>
      %add3A_383 = arith.constant 128 : i32
      %add3A_384 = arith.addi %add3A_383, %add3A_171 : i32
      %get3A_385 = arith.index_cast %add3A_384 : i32 to index
      %get3A_386 = arith.constant 80 : index
      %get3A_387 = tpu.vector_load %arg7[%get3A_385, %get3A_386] {strides = array<i32>} : memref<384x128xf32, #tpu.memory_space<vmem>>, vector<1x16xf32>,
      %get3A_388 = vector.shape_cast %get3A_387 : vector<1x16xf32> to vector<16xf32>
      %add3A_389 = arith.constant 256 : i32
      %add3A_390 = arith.addi %add3A_389, %add3A_171 : i32
      %get3A_391 = arith.index_cast %add3A_390 : i32 to index
      %get3A_392 = arith.constant 80 : index
      %get3A_393 = tpu.vector_load %arg7[%get3A_391, %get3A_392] {strides = array<i32>} : memref<384x128xf32, #tpu.memory_space<vmem>>, vector<1x16xf32>,
      %get3A_394 = vector.shape_cast %get3A_393 : vector<1x16xf32> to vector<16xf32>
      %sub3A_395 = arith.subf %get3A_388, %get3A_394 : vector<16xf32>
      %mul3A_396 = arith.mulf %get3A_382, %sub3A_395 : vector<16xf32>
      %add3A_397 = arith.addf %scan3A_165, %mul3A_396 : vector<16xf32>
      %get3A_398 = arith.index_cast %mul3A_169 : i32 to index
      %get3A_399 = arith.constant 96 : index
      %get3A_400 = tpu.vector_load %arg7[%get3A_398, %get3A_399] {strides = array<i32>} : memref<384x128xf32, #tpu.memory_space<vmem>>, vector<1x16xf32>,
      %get3A_401 = vector.shape_cast %get3A_400 : vector<1x16xf32> to vector<16xf32>
      %add3A_402 = arith.constant 128 : i32
      %add3A_403 = arith.addi %add3A_402, %mul3A_169 : i32
      %get3A_404 = arith.index_cast %add3A_403 : i32 to index
      %get3A_405 = arith.constant 96 : index
      %get3A_406 = tpu.vector_load %arg7[%get3A_404, %get3A_405] {strides = array<i32>} : memref<384x128xf32, #tpu.memory_space<vmem>>, vector<1x16xf32>,
      %get3A_407 = vector.shape_cast %get3A_406 : vector<1x16xf32> to vector<16xf32>
      %add3A_408 = arith.constant 256 : i32
      %add3A_409 = arith.addi %add3A_408, %mul3A_169 : i32
      %get3A_410 = arith.index_cast %add3A_409 : i32 to index
      %get3A_411 = arith.constant 96 : index
      %get3A_412 = tpu.vector_load %arg7[%get3A_410, %get3A_411] {strides = array<i32>} : memref<384x128xf32, #tpu.memory_space<vmem>>, vector<1x16xf32>,
      %get3A_413 = vector.shape_cast %get3A_412 : vector<1x16xf32> to vector<16xf32>
      %sub3A_414 = arith.subf %get3A_407, %get3A_413 : vector<16xf32>
      %mul3A_415 = arith.mulf %get3A_401, %sub3A_414 : vector<16xf32>
      %add3A_416 = arith.addf %scan3A_158, %mul3A_415 : vector<16xf32>
      %get3A_417 = arith.index_cast %add3A_171 : i32 to index
      %get3A_418 = arith.constant 96 : index
      %get3A_419 = tpu.vector_load %arg7[%get3A_417, %get3A_418] {strides = array<i32>} : memref<384x128xf32, #tpu.memory_space<vmem>>, vector<1x16xf32>,
      %get3A_420 = vector.shape_cast %get3A_419 : vector<1x16xf32> to vector<16xf32>
      %add3A_421 = arith.constant 128 : i32
      %add3A_422 = arith.addi %add3A_421, %add3A_171 : i32
      %get3A_423 = arith.index_cast %add3A_422 : i32 to index
      %get3A_424 = arith.constant 96 : index
      %get3A_425 = tpu.vector_load %arg7[%get3A_423, %get3A_424] {strides = array<i32>} : memref<384x128xf32, #tpu.memory_space<vmem>>, vector<1x16xf32>,
      %get3A_426 = vector.shape_cast %get3A_425 : vector<1x16xf32> to vector<16xf32>
      %add3A_427 = arith.constant 256 : i32
      %add3A_428 = arith.addi %add3A_427, %add3A_171 : i32
      %get3A_429 = arith.index_cast %add3A_428 : i32 to index
      %get3A_430 = arith.constant 96 : index
      %get3A_431 = tpu.vector_load %arg7[%get3A_429, %get3A_430] {strides = array<i32>} : memref<384x128xf32, #tpu.memory_space<vmem>>, vector<1x16xf32>,
      %get3A_432 = vector.shape_cast %get3A_431 : vector<1x16xf32> to vector<16xf32>
      %sub3A_433 = arith.subf %get3A_426, %get3A_432 : vector<16xf32>
      %mul3A_434 = arith.mulf %get3A_420, %sub3A_433 : vector<16xf32>
      %add3A_435 = arith.addf %scan3A_166, %mul3A_434 : vector<16xf32>
      %get3A_436 = arith.index_cast %mul3A_169 : i32 to index
      %get3A_437 = arith.constant 112 : index
      %get3A_438 = tpu.vector_load %arg7[%get3A_436, %get3A_437] {strides = array<i32>} : memref<384x128xf32, #tpu.memory_space<vmem>>, vector<1x16xf32>,
      %get3A_439 = vector.shape_cast %get3A_438 : vector<1x16xf32> to vector<16xf32>
      %add3A_440 = arith.constant 128 : i32
      %add3A_441 = arith.addi %add3A_440, %mul3A_169 : i32
      %get3A_442 = arith.index_cast %add3A_441 : i32 to index
      %get3A_443 = arith.constant 112 : index
      %get3A_444 = tpu.vector_load %arg7[%get3A_442, %get3A_443] {strides = array<i32>} : memref<384x128xf32, #tpu.memory_space<vmem>>, vector<1x16xf32>,
      %get3A_445 = vector.shape_cast %get3A_444 : vector<1x16xf32> to vector<16xf32>
      %add3A_446 = arith.constant 256 : i32
      %add3A_447 = arith.addi %add3A_446, %mul3A_169 : i32
      %get3A_448 = arith.index_cast %add3A_447 : i32 to index
      %get3A_449 = arith.constant 112 : index
      %get3A_450 = tpu.vector_load %arg7[%get3A_448, %get3A_449] {strides = array<i32>} : memref<384x128xf32, #tpu.memory_space<vmem>>, vector<1x16xf32>,
      %get3A_451 = vector.shape_cast %get3A_450 : vector<1x16xf32> to vector<16xf32>
      %sub3A_452 = arith.subf %get3A_445, %get3A_451 : vector<16xf32>
      %mul3A_453 = arith.mulf %get3A_439, %sub3A_452 : vector<16xf32>
      %add3A_454 = arith.addf %scan3A_159, %mul3A_453 : vector<16xf32>
      %get3A_455 = arith.index_cast %add3A_171 : i32 to index
      %get3A_456 = arith.constant 112 : index
      %get3A_457 = tpu.vector_load %arg7[%get3A_455, %get3A_456] {strides = array<i32>} : memref<384x128xf32, #tpu.memory_space<vmem>>, vector<1x16xf32>,
      %get3A_458 = vector.shape_cast %get3A_457 : vector<1x16xf32> to vector<16xf32>
      %add3A_459 = arith.constant 128 : i32
      %add3A_460 = arith.addi %add3A_459, %add3A_171 : i32
      %get3A_461 = arith.index_cast %add3A_460 : i32 to index
      %get3A_462 = arith.constant 112 : index
      %get3A_463 = tpu.vector_load %arg7[%get3A_461, %get3A_462] {strides = array<i32>} : memref<384x128xf32, #tpu.memory_space<vmem>>, vector<1x16xf32>,
      %get3A_464 = vector.shape_cast %get3A_463 : vector<1x16xf32> to vector<16xf32>
      %add3A_465 = arith.constant 256 : i32
      %add3A_466 = arith.addi %add3A_465, %add3A_171 : i32
      %get3A_467 = arith.index_cast %add3A_466 : i32 to index
      %get3A_468 = arith.constant 112 : index
      %get3A_469 = tpu.vector_load %arg7[%get3A_467, %get3A_468] {strides = array<i32>} : memref<384x128xf32, #tpu.memory_space<vmem>>, vector<1x16xf32>,
      %get3A_470 = vector.shape_cast %get3A_469 : vector<1x16xf32> to vector<16xf32>
      %sub3A_471 = arith.subf %get3A_464, %get3A_470 : vector<16xf32>
      %mul3A_472 = arith.mulf %get3A_458, %sub3A_471 : vector<16xf32>
      %add3A_473 = arith.addf %scan3A_167, %mul3A_472 : vector<16xf32>
      scf.yield %add3A_188, %add3A_226, %add3A_264, %add3A_302, %add3A_340, %add3A_378, %add3A_416, %add3A_454, %add3A_207, %add3A_245, %add3A_283, %add3A_321, %add3A_359, %add3A_397, %add3A_435, %add3A_473 : vector<16xf32>, vector<16xf32>, vector<16xf32>, vector<16xf32>, vector<16xf32>, vector<16xf32>, vector<16xf32>, vector<16xf32>, vector<16xf32>, vector<16xf32>, vector<16xf32>, vector<16xf32>, vector<16xf32>, vector<16xf32>, vector<16xf32>, vector<16xf32>
    }
    %scan3A_105 = arith.constant 64 : i32
    %dma_start3A_106 = arith.constant 1152 : i32
    %dma_start3A_107 = tpu.memref_slice %arg5[%dma_start3A_106] : memref<1536xi32, #tpu.memory_space<vmem>> -> memref<384xi32, #tpu.memory_space<vmem>>
    %dma_start3A_108 = arith.constant 0 : i32
    %dma_start3A_109 = arith.constant 0 : i32
    %dma_start3A_110 = tpu.memref_slice %arg3[%dma_start3A_108, %dma_start3A_109] : memref<1000000x128xf32, #tpu.memory_space<hbm>> -> memref<1000000x128xf32, #tpu.memory_space<hbm>>
    tpu.enqueue_indirect_dma source(%dma_start3A_110 : memref<1000000x128xf32, #tpu.memory_space<hbm>>) target(%arg7 : memref<384x128xf32, #tpu.memory_space<vmem>>) offsets(%dma_start3A_107 : memref<384xi32, #tpu.memory_space<vmem>>) semaphore(%arg10 : memref<!tpu.dma_semaphore, #tpu.memory_space<semaphore_mem>>)
    %dma_wait3A_111 = arith.constant 768 : i32
    %dma_wait3A_112 = tpu.memref_slice %arg5[%dma_wait3A_111] : memref<1536xi32, #tpu.memory_space<vmem>> -> memref<384xi32, #tpu.memory_space<vmem>>
    %dma_wait3A_113 = arith.constant 0 : i32
    %dma_wait3A_114 = arith.constant 0 : i32
    %dma_wait3A_115 = tpu.memref_slice %arg3[%dma_wait3A_113, %dma_wait3A_114] : memref<1000000x128xf32, #tpu.memory_space<hbm>> -> memref<1000000x128xf32, #tpu.memory_space<hbm>>
    tpu.wait_indirect_dma semaphore(%arg9 : memref<!tpu.dma_semaphore, #tpu.memory_space<semaphore_mem>>) src(%dma_wait3A_115 : memref<1000000x128xf32, #tpu.memory_space<hbm>>) dst(%arg6 : memref<384x128xf32, #tpu.memory_space<vmem>>)
    %scan3A_116 = arith.constant 0 : i32
    %scan3A_117 = arith.constant 64 : i32
    %scan3A_118 = arith.addi %scan3A_116, %scan3A_117 : i32
    %scan3A_119 = arith.constant 1 : i32
    %scan3A_120:16 = scf.for %scan3A_151 = %scan3A_116 to %scan3A_118 step %scan3A_119 iter_args(%scan3A_152 = %scan3A_104#0, %scan3A_153 = %scan3A_104#1, %scan3A_154 = %scan3A_104#2, %scan3A_155 = %scan3A_104#3, %scan3A_156 = %scan3A_104#4, %scan3A_157 = %scan3A_104#5, %scan3A_158 = %scan3A_104#6, %scan3A_159 = %scan3A_104#7, %scan3A_160 = %scan3A_104#8, %scan3A_161 = %scan3A_104#9, %scan3A_162 = %scan3A_104#10, %scan3A_163 = %scan3A_104#11, %scan3A_164 = %scan3A_104#12, %scan3A_165 = %scan3A_104#13, %scan3A_166 = %scan3A_104#14, %scan3A_167 = %scan3A_104#15) -> (vector<16xf32>, vector<16xf32>, vector<16xf32>, vector<16xf32>, vector<16xf32>, vector<16xf32>, vector<16xf32>, vector<16xf32>, vector<16xf32>, vector<16xf32>, vector<16xf32>, vector<16xf32>, vector<16xf32>, vector<16xf32>, vector<16xf32>, vector<16xf32>)  : i32 {
      %mul3A_168 = arith.constant 2 : i32
      %mul3A_169 = arith.muli %mul3A_168, %scan3A_151 : i32
      %add3A_170 = arith.constant 1 : i32
      %add3A_171 = arith.addi %mul3A_169, %add3A_170 : i32
      %get3A = arith.index_cast %mul3A_169 : i32 to index
      %get3A_172 = arith.constant 0 : index
      %get3A_173 = tpu.vector_load %arg6[%get3A, %get3A_172] {strides = array<i32>} : memref<384x128xf32, #tpu.memory_space<vmem>>, vector<1x16xf32>,
      %get3A_174 = vector.shape_cast %get3A_173 : vector<1x16xf32> to vector<16xf32>
      %add3A_175 = arith.constant 128 : i32
      %add3A_176 = arith.addi %add3A_175, %mul3A_169 : i32
      %get3A_177 = arith.index_cast %add3A_176 : i32 to index
      %get3A_178 = arith.constant 0 : index
      %get3A_179 = tpu.vector_load %arg6[%get3A_177, %get3A_178] {strides = array<i32>} : memref<384x128xf32, #tpu.memory_space<vmem>>, vector<1x16xf32>,
      %get3A_180 = vector.shape_cast %get3A_179 : vector<1x16xf32> to vector<16xf32>
      %add3A_181 = arith.constant 256 : i32
      %add3A_182 = arith.addi %add3A_181, %mul3A_169 : i32
      %get3A_183 = arith.index_cast %add3A_182 : i32 to index
      %get3A_184 = arith.constant 0 : index
      %get3A_185 = tpu.vector_load %arg6[%get3A_183, %get3A_184] {strides = array<i32>} : memref<384x128xf32, #tpu.memory_space<vmem>>, vector<1x16xf32>,
      %get3A_186 = vector.shape_cast %get3A_185 : vector<1x16xf32> to vector<16xf32>
      %sub3A = arith.subf %get3A_180, %get3A_186 : vector<16xf32>
      %mul3A_187 = arith.mulf %get3A_174, %sub3A : vector<16xf32>
      %add3A_188 = arith.addf %scan3A_152, %mul3A_187 : vector<16xf32>
      %get3A_189 = arith.index_cast %add3A_171 : i32 to index
      %get3A_190 = arith.constant 0 : index
      %get3A_191 = tpu.vector_load %arg6[%get3A_189, %get3A_190] {strides = array<i32>} : memref<384x128xf32, #tpu.memory_space<vmem>>, vector<1x16xf32>,
      %get3A_192 = vector.shape_cast %get3A_191 : vector<1x16xf32> to vector<16xf32>
      %add3A_193 = arith.constant 128 : i32
      %add3A_194 = arith.addi %add3A_193, %add3A_171 : i32
      %get3A_195 = arith.index_cast %add3A_194 : i32 to index
      %get3A_196 = arith.constant 0 : index
      %get3A_197 = tpu.vector_load %arg6[%get3A_195, %get3A_196] {strides = array<i32>} : memref<384x128xf32, #tpu.memory_space<vmem>>, vector<1x16xf32>,
      %get3A_198 = vector.shape_cast %get3A_197 : vector<1x16xf32> to vector<16xf32>
      %add3A_199 = arith.constant 256 : i32
      %add3A_200 = arith.addi %add3A_199, %add3A_171 : i32
      %get3A_201 = arith.index_cast %add3A_200 : i32 to index
      %get3A_202 = arith.constant 0 : index
      %get3A_203 = tpu.vector_load %arg6[%get3A_201, %get3A_202] {strides = array<i32>} : memref<384x128xf32, #tpu.memory_space<vmem>>, vector<1x16xf32>,
      %get3A_204 = vector.shape_cast %get3A_203 : vector<1x16xf32> to vector<16xf32>
      %sub3A_205 = arith.subf %get3A_198, %get3A_204 : vector<16xf32>
      %mul3A_206 = arith.mulf %get3A_192, %sub3A_205 : vector<16xf32>
      %add3A_207 = arith.addf %scan3A_160, %mul3A_206 : vector<16xf32>
      %get3A_208 = arith.index_cast %mul3A_169 : i32 to index
      %get3A_209 = arith.constant 16 : index
      %get3A_210 = tpu.vector_load %arg6[%get3A_208, %get3A_209] {strides = array<i32>} : memref<384x128xf32, #tpu.memory_space<vmem>>, vector<1x16xf32>,
      %get3A_211 = vector.shape_cast %get3A_210 : vector<1x16xf32> to vector<16xf32>
      %add3A_212 = arith.constant 128 : i32
      %add3A_213 = arith.addi %add3A_212, %mul3A_169 : i32
      %get3A_214 = arith.index_cast %add3A_213 : i32 to index
      %get3A_215 = arith.constant 16 : index
      %get3A_216 = tpu.vector_load %arg6[%get3A_214, %get3A_215] {strides = array<i32>} : memref<384x128xf32, #tpu.memory_space<vmem>>, vector<1x16xf32>,
      %get3A_217 = vector.shape_cast %get3A_216 : vector<1x16xf32> to vector<16xf32>
      %add3A_218 = arith.constant 256 : i32
      %add3A_219 = arith.addi %add3A_218, %mul3A_169 : i32
      %get3A_220 = arith.index_cast %add3A_219 : i32 to index
      %get3A_221 = arith.constant 16 : index
      %get3A_222 = tpu.vector_load %arg6[%get3A_220, %get3A_221] {strides = array<i32>} : memref<384x128xf32, #tpu.memory_space<vmem>>, vector<1x16xf32>,
      %get3A_223 = vector.shape_cast %get3A_222 : vector<1x16xf32> to vector<16xf32>
      %sub3A_224 = arith.subf %get3A_217, %get3A_223 : vector<16xf32>
      %mul3A_225 = arith.mulf %get3A_211, %sub3A_224 : vector<16xf32>
      %add3A_226 = arith.addf %scan3A_153, %mul3A_225 : vector<16xf32>
      %get3A_227 = arith.index_cast %add3A_171 : i32 to index
      %get3A_228 = arith.constant 16 : index
      %get3A_229 = tpu.vector_load %arg6[%get3A_227, %get3A_228] {strides = array<i32>} : memref<384x128xf32, #tpu.memory_space<vmem>>, vector<1x16xf32>,
      %get3A_230 = vector.shape_cast %get3A_229 : vector<1x16xf32> to vector<16xf32>
      %add3A_231 = arith.constant 128 : i32
      %add3A_232 = arith.addi %add3A_231, %add3A_171 : i32
      %get3A_233 = arith.index_cast %add3A_232 : i32 to index
      %get3A_234 = arith.constant 16 : index
      %get3A_235 = tpu.vector_load %arg6[%get3A_233, %get3A_234] {strides = array<i32>} : memref<384x128xf32, #tpu.memory_space<vmem>>, vector<1x16xf32>,
      %get3A_236 = vector.shape_cast %get3A_235 : vector<1x16xf32> to vector<16xf32>
      %add3A_237 = arith.constant 256 : i32
      %add3A_238 = arith.addi %add3A_237, %add3A_171 : i32
      %get3A_239 = arith.index_cast %add3A_238 : i32 to index
      %get3A_240 = arith.constant 16 : index
      %get3A_241 = tpu.vector_load %arg6[%get3A_239, %get3A_240] {strides = array<i32>} : memref<384x128xf32, #tpu.memory_space<vmem>>, vector<1x16xf32>,
      %get3A_242 = vector.shape_cast %get3A_241 : vector<1x16xf32> to vector<16xf32>
      %sub3A_243 = arith.subf %get3A_236, %get3A_242 : vector<16xf32>
      %mul3A_244 = arith.mulf %get3A_230, %sub3A_243 : vector<16xf32>
      %add3A_245 = arith.addf %scan3A_161, %mul3A_244 : vector<16xf32>
      %get3A_246 = arith.index_cast %mul3A_169 : i32 to index
      %get3A_247 = arith.constant 32 : index
      %get3A_248 = tpu.vector_load %arg6[%get3A_246, %get3A_247] {strides = array<i32>} : memref<384x128xf32, #tpu.memory_space<vmem>>, vector<1x16xf32>,
      %get3A_249 = vector.shape_cast %get3A_248 : vector<1x16xf32> to vector<16xf32>
      %add3A_250 = arith.constant 128 : i32
      %add3A_251 = arith.addi %add3A_250, %mul3A_169 : i32
      %get3A_252 = arith.index_cast %add3A_251 : i32 to index
      %get3A_253 = arith.constant 32 : index
      %get3A_254 = tpu.vector_load %arg6[%get3A_252, %get3A_253] {strides = array<i32>} : memref<384x128xf32, #tpu.memory_space<vmem>>, vector<1x16xf32>,
      %get3A_255 = vector.shape_cast %get3A_254 : vector<1x16xf32> to vector<16xf32>
      %add3A_256 = arith.constant 256 : i32
      %add3A_257 = arith.addi %add3A_256, %mul3A_169 : i32
      %get3A_258 = arith.index_cast %add3A_257 : i32 to index
      %get3A_259 = arith.constant 32 : index
      %get3A_260 = tpu.vector_load %arg6[%get3A_258, %get3A_259] {strides = array<i32>} : memref<384x128xf32, #tpu.memory_space<vmem>>, vector<1x16xf32>,
      %get3A_261 = vector.shape_cast %get3A_260 : vector<1x16xf32> to vector<16xf32>
      %sub3A_262 = arith.subf %get3A_255, %get3A_261 : vector<16xf32>
      %mul3A_263 = arith.mulf %get3A_249, %sub3A_262 : vector<16xf32>
      %add3A_264 = arith.addf %scan3A_154, %mul3A_263 : vector<16xf32>
      %get3A_265 = arith.index_cast %add3A_171 : i32 to index
      %get3A_266 = arith.constant 32 : index
      %get3A_267 = tpu.vector_load %arg6[%get3A_265, %get3A_266] {strides = array<i32>} : memref<384x128xf32, #tpu.memory_space<vmem>>, vector<1x16xf32>,
      %get3A_268 = vector.shape_cast %get3A_267 : vector<1x16xf32> to vector<16xf32>
      %add3A_269 = arith.constant 128 : i32
      %add3A_270 = arith.addi %add3A_269, %add3A_171 : i32
      %get3A_271 = arith.index_cast %add3A_270 : i32 to index
      %get3A_272 = arith.constant 32 : index
      %get3A_273 = tpu.vector_load %arg6[%get3A_271, %get3A_272] {strides = array<i32>} : memref<384x128xf32, #tpu.memory_space<vmem>>, vector<1x16xf32>,
      %get3A_274 = vector.shape_cast %get3A_273 : vector<1x16xf32> to vector<16xf32>
      %add3A_275 = arith.constant 256 : i32
      %add3A_276 = arith.addi %add3A_275, %add3A_171 : i32
      %get3A_277 = arith.index_cast %add3A_276 : i32 to index
      %get3A_278 = arith.constant 32 : index
      %get3A_279 = tpu.vector_load %arg6[%get3A_277, %get3A_278] {strides = array<i32>} : memref<384x128xf32, #tpu.memory_space<vmem>>, vector<1x16xf32>,
      %get3A_280 = vector.shape_cast %get3A_279 : vector<1x16xf32> to vector<16xf32>
      %sub3A_281 = arith.subf %get3A_274, %get3A_280 : vector<16xf32>
      %mul3A_282 = arith.mulf %get3A_268, %sub3A_281 : vector<16xf32>
      %add3A_283 = arith.addf %scan3A_162, %mul3A_282 : vector<16xf32>
      %get3A_284 = arith.index_cast %mul3A_169 : i32 to index
      %get3A_285 = arith.constant 48 : index
      %get3A_286 = tpu.vector_load %arg6[%get3A_284, %get3A_285] {strides = array<i32>} : memref<384x128xf32, #tpu.memory_space<vmem>>, vector<1x16xf32>,
      %get3A_287 = vector.shape_cast %get3A_286 : vector<1x16xf32> to vector<16xf32>
      %add3A_288 = arith.constant 128 : i32
      %add3A_289 = arith.addi %add3A_288, %mul3A_169 : i32
      %get3A_290 = arith.index_cast %add3A_289 : i32 to index
      %get3A_291 = arith.constant 48 : index
      %get3A_292 = tpu.vector_load %arg6[%get3A_290, %get3A_291] {strides = array<i32>} : memref<384x128xf32, #tpu.memory_space<vmem>>, vector<1x16xf32>,
      %get3A_293 = vector.shape_cast %get3A_292 : vector<1x16xf32> to vector<16xf32>
      %add3A_294 = arith.constant 256 : i32
      %add3A_295 = arith.addi %add3A_294, %mul3A_169 : i32
      %get3A_296 = arith.index_cast %add3A_295 : i32 to index
      %get3A_297 = arith.constant 48 : index
      %get3A_298 = tpu.vector_load %arg6[%get3A_296, %get3A_297] {strides = array<i32>} : memref<384x128xf32, #tpu.memory_space<vmem>>, vector<1x16xf32>,
      %get3A_299 = vector.shape_cast %get3A_298 : vector<1x16xf32> to vector<16xf32>
      %sub3A_300 = arith.subf %get3A_293, %get3A_299 : vector<16xf32>
      %mul3A_301 = arith.mulf %get3A_287, %sub3A_300 : vector<16xf32>
      %add3A_302 = arith.addf %scan3A_155, %mul3A_301 : vector<16xf32>
      %get3A_303 = arith.index_cast %add3A_171 : i32 to index
      %get3A_304 = arith.constant 48 : index
      %get3A_305 = tpu.vector_load %arg6[%get3A_303, %get3A_304] {strides = array<i32>} : memref<384x128xf32, #tpu.memory_space<vmem>>, vector<1x16xf32>,
      %get3A_306 = vector.shape_cast %get3A_305 : vector<1x16xf32> to vector<16xf32>
      %add3A_307 = arith.constant 128 : i32
      %add3A_308 = arith.addi %add3A_307, %add3A_171 : i32
      %get3A_309 = arith.index_cast %add3A_308 : i32 to index
      %get3A_310 = arith.constant 48 : index
      %get3A_311 = tpu.vector_load %arg6[%get3A_309, %get3A_310] {strides = array<i32>} : memref<384x128xf32, #tpu.memory_space<vmem>>, vector<1x16xf32>,
      %get3A_312 = vector.shape_cast %get3A_311 : vector<1x16xf32> to vector<16xf32>
      %add3A_313 = arith.constant 256 : i32
      %add3A_314 = arith.addi %add3A_313, %add3A_171 : i32
      %get3A_315 = arith.index_cast %add3A_314 : i32 to index
      %get3A_316 = arith.constant 48 : index
      %get3A_317 = tpu.vector_load %arg6[%get3A_315, %get3A_316] {strides = array<i32>} : memref<384x128xf32, #tpu.memory_space<vmem>>, vector<1x16xf32>,
      %get3A_318 = vector.shape_cast %get3A_317 : vector<1x16xf32> to vector<16xf32>
      %sub3A_319 = arith.subf %get3A_312, %get3A_318 : vector<16xf32>
      %mul3A_320 = arith.mulf %get3A_306, %sub3A_319 : vector<16xf32>
      %add3A_321 = arith.addf %scan3A_163, %mul3A_320 : vector<16xf32>
      %get3A_322 = arith.index_cast %mul3A_169 : i32 to index
      %get3A_323 = arith.constant 64 : index
      %get3A_324 = tpu.vector_load %arg6[%get3A_322, %get3A_323] {strides = array<i32>} : memref<384x128xf32, #tpu.memory_space<vmem>>, vector<1x16xf32>,
      %get3A_325 = vector.shape_cast %get3A_324 : vector<1x16xf32> to vector<16xf32>
      %add3A_326 = arith.constant 128 : i32
      %add3A_327 = arith.addi %add3A_326, %mul3A_169 : i32
      %get3A_328 = arith.index_cast %add3A_327 : i32 to index
      %get3A_329 = arith.constant 64 : index
      %get3A_330 = tpu.vector_load %arg6[%get3A_328, %get3A_329] {strides = array<i32>} : memref<384x128xf32, #tpu.memory_space<vmem>>, vector<1x16xf32>,
      %get3A_331 = vector.shape_cast %get3A_330 : vector<1x16xf32> to vector<16xf32>
      %add3A_332 = arith.constant 256 : i32
      %add3A_333 = arith.addi %add3A_332, %mul3A_169 : i32
      %get3A_334 = arith.index_cast %add3A_333 : i32 to index
      %get3A_335 = arith.constant 64 : index
      %get3A_336 = tpu.vector_load %arg6[%get3A_334, %get3A_335] {strides = array<i32>} : memref<384x128xf32, #tpu.memory_space<vmem>>, vector<1x16xf32>,
      %get3A_337 = vector.shape_cast %get3A_336 : vector<1x16xf32> to vector<16xf32>
      %sub3A_338 = arith.subf %get3A_331, %get3A_337 : vector<16xf32>
      %mul3A_339 = arith.mulf %get3A_325, %sub3A_338 : vector<16xf32>
      %add3A_340 = arith.addf %scan3A_156, %mul3A_339 : vector<16xf32>
      %get3A_341 = arith.index_cast %add3A_171 : i32 to index
      %get3A_342 = arith.constant 64 : index
      %get3A_343 = tpu.vector_load %arg6[%get3A_341, %get3A_342] {strides = array<i32>} : memref<384x128xf32, #tpu.memory_space<vmem>>, vector<1x16xf32>,
      %get3A_344 = vector.shape_cast %get3A_343 : vector<1x16xf32> to vector<16xf32>
      %add3A_345 = arith.constant 128 : i32
      %add3A_346 = arith.addi %add3A_345, %add3A_171 : i32
      %get3A_347 = arith.index_cast %add3A_346 : i32 to index
      %get3A_348 = arith.constant 64 : index
      %get3A_349 = tpu.vector_load %arg6[%get3A_347, %get3A_348] {strides = array<i32>} : memref<384x128xf32, #tpu.memory_space<vmem>>, vector<1x16xf32>,
      %get3A_350 = vector.shape_cast %get3A_349 : vector<1x16xf32> to vector<16xf32>
      %add3A_351 = arith.constant 256 : i32
      %add3A_352 = arith.addi %add3A_351, %add3A_171 : i32
      %get3A_353 = arith.index_cast %add3A_352 : i32 to index
      %get3A_354 = arith.constant 64 : index
      %get3A_355 = tpu.vector_load %arg6[%get3A_353, %get3A_354] {strides = array<i32>} : memref<384x128xf32, #tpu.memory_space<vmem>>, vector<1x16xf32>,
      %get3A_356 = vector.shape_cast %get3A_355 : vector<1x16xf32> to vector<16xf32>
      %sub3A_357 = arith.subf %get3A_350, %get3A_356 : vector<16xf32>
      %mul3A_358 = arith.mulf %get3A_344, %sub3A_357 : vector<16xf32>
      %add3A_359 = arith.addf %scan3A_164, %mul3A_358 : vector<16xf32>
      %get3A_360 = arith.index_cast %mul3A_169 : i32 to index
      %get3A_361 = arith.constant 80 : index
      %get3A_362 = tpu.vector_load %arg6[%get3A_360, %get3A_361] {strides = array<i32>} : memref<384x128xf32, #tpu.memory_space<vmem>>, vector<1x16xf32>,
      %get3A_363 = vector.shape_cast %get3A_362 : vector<1x16xf32> to vector<16xf32>
      %add3A_364 = arith.constant 128 : i32
      %add3A_365 = arith.addi %add3A_364, %mul3A_169 : i32
      %get3A_366 = arith.index_cast %add3A_365 : i32 to index
      %get3A_367 = arith.constant 80 : index
      %get3A_368 = tpu.vector_load %arg6[%get3A_366, %get3A_367] {strides = array<i32>} : memref<384x128xf32, #tpu.memory_space<vmem>>, vector<1x16xf32>,
      %get3A_369 = vector.shape_cast %get3A_368 : vector<1x16xf32> to vector<16xf32>
      %add3A_370 = arith.constant 256 : i32
      %add3A_371 = arith.addi %add3A_370, %mul3A_169 : i32
      %get3A_372 = arith.index_cast %add3A_371 : i32 to index
      %get3A_373 = arith.constant 80 : index
      %get3A_374 = tpu.vector_load %arg6[%get3A_372, %get3A_373] {strides = array<i32>} : memref<384x128xf32, #tpu.memory_space<vmem>>, vector<1x16xf32>,
      %get3A_375 = vector.shape_cast %get3A_374 : vector<1x16xf32> to vector<16xf32>
      %sub3A_376 = arith.subf %get3A_369, %get3A_375 : vector<16xf32>
      %mul3A_377 = arith.mulf %get3A_363, %sub3A_376 : vector<16xf32>
      %add3A_378 = arith.addf %scan3A_157, %mul3A_377 : vector<16xf32>
      %get3A_379 = arith.index_cast %add3A_171 : i32 to index
      %get3A_380 = arith.constant 80 : index
      %get3A_381 = tpu.vector_load %arg6[%get3A_379, %get3A_380] {strides = array<i32>} : memref<384x128xf32, #tpu.memory_space<vmem>>, vector<1x16xf32>,
      %get3A_382 = vector.shape_cast %get3A_381 : vector<1x16xf32> to vector<16xf32>
      %add3A_383 = arith.constant 128 : i32
      %add3A_384 = arith.addi %add3A_383, %add3A_171 : i32
      %get3A_385 = arith.index_cast %add3A_384 : i32 to index
      %get3A_386 = arith.constant 80 : index
      %get3A_387 = tpu.vector_load %arg6[%get3A_385, %get3A_386] {strides = array<i32>} : memref<384x128xf32, #tpu.memory_space<vmem>>, vector<1x16xf32>,
      %get3A_388 = vector.shape_cast %get3A_387 : vector<1x16xf32> to vector<16xf32>
      %add3A_389 = arith.constant 256 : i32
      %add3A_390 = arith.addi %add3A_389, %add3A_171 : i32
      %get3A_391 = arith.index_cast %add3A_390 : i32 to index
      %get3A_392 = arith.constant 80 : index
      %get3A_393 = tpu.vector_load %arg6[%get3A_391, %get3A_392] {strides = array<i32>} : memref<384x128xf32, #tpu.memory_space<vmem>>, vector<1x16xf32>,
      %get3A_394 = vector.shape_cast %get3A_393 : vector<1x16xf32> to vector<16xf32>
      %sub3A_395 = arith.subf %get3A_388, %get3A_394 : vector<16xf32>
      %mul3A_396 = arith.mulf %get3A_382, %sub3A_395 : vector<16xf32>
      %add3A_397 = arith.addf %scan3A_165, %mul3A_396 : vector<16xf32>
      %get3A_398 = arith.index_cast %mul3A_169 : i32 to index
      %get3A_399 = arith.constant 96 : index
      %get3A_400 = tpu.vector_load %arg6[%get3A_398, %get3A_399] {strides = array<i32>} : memref<384x128xf32, #tpu.memory_space<vmem>>, vector<1x16xf32>,
      %get3A_401 = vector.shape_cast %get3A_400 : vector<1x16xf32> to vector<16xf32>
      %add3A_402 = arith.constant 128 : i32
      %add3A_403 = arith.addi %add3A_402, %mul3A_169 : i32
      %get3A_404 = arith.index_cast %add3A_403 : i32 to index
      %get3A_405 = arith.constant 96 : index
      %get3A_406 = tpu.vector_load %arg6[%get3A_404, %get3A_405] {strides = array<i32>} : memref<384x128xf32, #tpu.memory_space<vmem>>, vector<1x16xf32>,
      %get3A_407 = vector.shape_cast %get3A_406 : vector<1x16xf32> to vector<16xf32>
      %add3A_408 = arith.constant 256 : i32
      %add3A_409 = arith.addi %add3A_408, %mul3A_169 : i32
      %get3A_410 = arith.index_cast %add3A_409 : i32 to index
      %get3A_411 = arith.constant 96 : index
      %get3A_412 = tpu.vector_load %arg6[%get3A_410, %get3A_411] {strides = array<i32>} : memref<384x128xf32, #tpu.memory_space<vmem>>, vector<1x16xf32>,
      %get3A_413 = vector.shape_cast %get3A_412 : vector<1x16xf32> to vector<16xf32>
      %sub3A_414 = arith.subf %get3A_407, %get3A_413 : vector<16xf32>
      %mul3A_415 = arith.mulf %get3A_401, %sub3A_414 : vector<16xf32>
      %add3A_416 = arith.addf %scan3A_158, %mul3A_415 : vector<16xf32>
      %get3A_417 = arith.index_cast %add3A_171 : i32 to index
      %get3A_418 = arith.constant 96 : index
      %get3A_419 = tpu.vector_load %arg6[%get3A_417, %get3A_418] {strides = array<i32>} : memref<384x128xf32, #tpu.memory_space<vmem>>, vector<1x16xf32>,
      %get3A_420 = vector.shape_cast %get3A_419 : vector<1x16xf32> to vector<16xf32>
      %add3A_421 = arith.constant 128 : i32
      %add3A_422 = arith.addi %add3A_421, %add3A_171 : i32
      %get3A_423 = arith.index_cast %add3A_422 : i32 to index
      %get3A_424 = arith.constant 96 : index
      %get3A_425 = tpu.vector_load %arg6[%get3A_423, %get3A_424] {strides = array<i32>} : memref<384x128xf32, #tpu.memory_space<vmem>>, vector<1x16xf32>,
      %get3A_426 = vector.shape_cast %get3A_425 : vector<1x16xf32> to vector<16xf32>
      %add3A_427 = arith.constant 256 : i32
      %add3A_428 = arith.addi %add3A_427, %add3A_171 : i32
      %get3A_429 = arith.index_cast %add3A_428 : i32 to index
      %get3A_430 = arith.constant 96 : index
      %get3A_431 = tpu.vector_load %arg6[%get3A_429, %get3A_430] {strides = array<i32>} : memref<384x128xf32, #tpu.memory_space<vmem>>, vector<1x16xf32>,
      %get3A_432 = vector.shape_cast %get3A_431 : vector<1x16xf32> to vector<16xf32>
      %sub3A_433 = arith.subf %get3A_426, %get3A_432 : vector<16xf32>
      %mul3A_434 = arith.mulf %get3A_420, %sub3A_433 : vector<16xf32>
      %add3A_435 = arith.addf %scan3A_166, %mul3A_434 : vector<16xf32>
      %get3A_436 = arith.index_cast %mul3A_169 : i32 to index
      %get3A_437 = arith.constant 112 : index
      %get3A_438 = tpu.vector_load %arg6[%get3A_436, %get3A_437] {strides = array<i32>} : memref<384x128xf32, #tpu.memory_space<vmem>>, vector<1x16xf32>,
      %get3A_439 = vector.shape_cast %get3A_438 : vector<1x16xf32> to vector<16xf32>
      %add3A_440 = arith.constant 128 : i32
      %add3A_441 = arith.addi %add3A_440, %mul3A_169 : i32
      %get3A_442 = arith.index_cast %add3A_441 : i32 to index
      %get3A_443 = arith.constant 112 : index
      %get3A_444 = tpu.vector_load %arg6[%get3A_442, %get3A_443] {strides = array<i32>} : memref<384x128xf32, #tpu.memory_space<vmem>>, vector<1x16xf32>,
      %get3A_445 = vector.shape_cast %get3A_444 : vector<1x16xf32> to vector<16xf32>
      %add3A_446 = arith.constant 256 : i32
      %add3A_447 = arith.addi %add3A_446, %mul3A_169 : i32
      %get3A_448 = arith.index_cast %add3A_447 : i32 to index
      %get3A_449 = arith.constant 112 : index
      %get3A_450 = tpu.vector_load %arg6[%get3A_448, %get3A_449] {strides = array<i32>} : memref<384x128xf32, #tpu.memory_space<vmem>>, vector<1x16xf32>,
      %get3A_451 = vector.shape_cast %get3A_450 : vector<1x16xf32> to vector<16xf32>
      %sub3A_452 = arith.subf %get3A_445, %get3A_451 : vector<16xf32>
      %mul3A_453 = arith.mulf %get3A_439, %sub3A_452 : vector<16xf32>
      %add3A_454 = arith.addf %scan3A_159, %mul3A_453 : vector<16xf32>
      %get3A_455 = arith.index_cast %add3A_171 : i32 to index
      %get3A_456 = arith.constant 112 : index
      %get3A_457 = tpu.vector_load %arg6[%get3A_455, %get3A_456] {strides = array<i32>} : memref<384x128xf32, #tpu.memory_space<vmem>>, vector<1x16xf32>,
      %get3A_458 = vector.shape_cast %get3A_457 : vector<1x16xf32> to vector<16xf32>
      %add3A_459 = arith.constant 128 : i32
      %add3A_460 = arith.addi %add3A_459, %add3A_171 : i32
      %get3A_461 = arith.index_cast %add3A_460 : i32 to index
      %get3A_462 = arith.constant 112 : index
      %get3A_463 = tpu.vector_load %arg6[%get3A_461, %get3A_462] {strides = array<i32>} : memref<384x128xf32, #tpu.memory_space<vmem>>, vector<1x16xf32>,
      %get3A_464 = vector.shape_cast %get3A_463 : vector<1x16xf32> to vector<16xf32>
      %add3A_465 = arith.constant 256 : i32
      %add3A_466 = arith.addi %add3A_465, %add3A_171 : i32
      %get3A_467 = arith.index_cast %add3A_466 : i32 to index
      %get3A_468 = arith.constant 112 : index
      %get3A_469 = tpu.vector_load %arg6[%get3A_467, %get3A_468] {strides = array<i32>} : memref<384x128xf32, #tpu.memory_space<vmem>>, vector<1x16xf32>,
      %get3A_470 = vector.shape_cast %get3A_469 : vector<1x16xf32> to vector<16xf32>
      %sub3A_471 = arith.subf %get3A_464, %get3A_470 : vector<16xf32>
      %mul3A_472 = arith.mulf %get3A_458, %sub3A_471 : vector<16xf32>
      %add3A_473 = arith.addf %scan3A_167, %mul3A_472 : vector<16xf32>
      scf.yield %add3A_188, %add3A_226, %add3A_264, %add3A_302, %add3A_340, %add3A_378, %add3A_416, %add3A_454, %add3A_207, %add3A_245, %add3A_283, %add3A_321, %add3A_359, %add3A_397, %add3A_435, %add3A_473 : vector<16xf32>, vector<16xf32>, vector<16xf32>, vector<16xf32>, vector<16xf32>, vector<16xf32>, vector<16xf32>, vector<16xf32>, vector<16xf32>, vector<16xf32>, vector<16xf32>, vector<16xf32>, vector<16xf32>, vector<16xf32>, vector<16xf32>, vector<16xf32>
    }
    %scan3A_121 = arith.constant 64 : i32
    %dma_wait3A_122 = arith.constant 1152 : i32
    %dma_wait3A_123 = tpu.memref_slice %arg5[%dma_wait3A_122] : memref<1536xi32, #tpu.memory_space<vmem>> -> memref<384xi32, #tpu.memory_space<vmem>>
    %dma_wait3A_124 = arith.constant 0 : i32
    %dma_wait3A_125 = arith.constant 0 : i32
    %dma_wait3A_126 = tpu.memref_slice %arg3[%dma_wait3A_124, %dma_wait3A_125] : memref<1000000x128xf32, #tpu.memory_space<hbm>> -> memref<1000000x128xf32, #tpu.memory_space<hbm>>
    tpu.wait_indirect_dma semaphore(%arg10 : memref<!tpu.dma_semaphore, #tpu.memory_space<semaphore_mem>>) src(%dma_wait3A_126 : memref<1000000x128xf32, #tpu.memory_space<hbm>>) dst(%arg7 : memref<384x128xf32, #tpu.memory_space<vmem>>)
    %scan3A_127 = arith.constant 0 : i32
    %scan3A_128 = arith.constant 64 : i32
    %scan3A_129 = arith.addi %scan3A_127, %scan3A_128 : i32
    %scan3A_130 = arith.constant 1 : i32
    %scan3A_131:16 = scf.for %scan3A_151 = %scan3A_127 to %scan3A_129 step %scan3A_130 iter_args(%scan3A_152 = %scan3A_120#0, %scan3A_153 = %scan3A_120#1, %scan3A_154 = %scan3A_120#2, %scan3A_155 = %scan3A_120#3, %scan3A_156 = %scan3A_120#4, %scan3A_157 = %scan3A_120#5, %scan3A_158 = %scan3A_120#6, %scan3A_159 = %scan3A_120#7, %scan3A_160 = %scan3A_120#8, %scan3A_161 = %scan3A_120#9, %scan3A_162 = %scan3A_120#10, %scan3A_163 = %scan3A_120#11, %scan3A_164 = %scan3A_120#12, %scan3A_165 = %scan3A_120#13, %scan3A_166 = %scan3A_120#14, %scan3A_167 = %scan3A_120#15) -> (vector<16xf32>, vector<16xf32>, vector<16xf32>, vector<16xf32>, vector<16xf32>, vector<16xf32>, vector<16xf32>, vector<16xf32>, vector<16xf32>, vector<16xf32>, vector<16xf32>, vector<16xf32>, vector<16xf32>, vector<16xf32>, vector<16xf32>, vector<16xf32>)  : i32 {
      %mul3A_168 = arith.constant 2 : i32
      %mul3A_169 = arith.muli %mul3A_168, %scan3A_151 : i32
      %add3A_170 = arith.constant 1 : i32
      %add3A_171 = arith.addi %mul3A_169, %add3A_170 : i32
      %get3A = arith.index_cast %mul3A_169 : i32 to index
      %get3A_172 = arith.constant 0 : index
      %get3A_173 = tpu.vector_load %arg7[%get3A, %get3A_172] {strides = array<i32>} : memref<384x128xf32, #tpu.memory_space<vmem>>, vector<1x16xf32>,
      %get3A_174 = vector.shape_cast %get3A_173 : vector<1x16xf32> to vector<16xf32>
      %add3A_175 = arith.constant 128 : i32
      %add3A_176 = arith.addi %add3A_175, %mul3A_169 : i32
      %get3A_177 = arith.index_cast %add3A_176 : i32 to index
      %get3A_178 = arith.constant 0 : index
      %get3A_179 = tpu.vector_load %arg7[%get3A_177, %get3A_178] {strides = array<i32>} : memref<384x128xf32, #tpu.memory_space<vmem>>, vector<1x16xf32>,
      %get3A_180 = vector.shape_cast %get3A_179 : vector<1x16xf32> to vector<16xf32>
      %add3A_181 = arith.constant 256 : i32
      %add3A_182 = arith.addi %add3A_181, %mul3A_169 : i32
      %get3A_183 = arith.index_cast %add3A_182 : i32 to index
      %get3A_184 = arith.constant 0 : index
      %get3A_185 = tpu.vector_load %arg7[%get3A_183, %get3A_184] {strides = array<i32>} : memref<384x128xf32, #tpu.memory_space<vmem>>, vector<1x16xf32>,
      %get3A_186 = vector.shape_cast %get3A_185 : vector<1x16xf32> to vector<16xf32>
      %sub3A = arith.subf %get3A_180, %get3A_186 : vector<16xf32>
      %mul3A_187 = arith.mulf %get3A_174, %sub3A : vector<16xf32>
      %add3A_188 = arith.addf %scan3A_152, %mul3A_187 : vector<16xf32>
      %get3A_189 = arith.index_cast %add3A_171 : i32 to index
      %get3A_190 = arith.constant 0 : index
      %get3A_191 = tpu.vector_load %arg7[%get3A_189, %get3A_190] {strides = array<i32>} : memref<384x128xf32, #tpu.memory_space<vmem>>, vector<1x16xf32>,
      %get3A_192 = vector.shape_cast %get3A_191 : vector<1x16xf32> to vector<16xf32>
      %add3A_193 = arith.constant 128 : i32
      %add3A_194 = arith.addi %add3A_193, %add3A_171 : i32
      %get3A_195 = arith.index_cast %add3A_194 : i32 to index
      %get3A_196 = arith.constant 0 : index
      %get3A_197 = tpu.vector_load %arg7[%get3A_195, %get3A_196] {strides = array<i32>} : memref<384x128xf32, #tpu.memory_space<vmem>>, vector<1x16xf32>,
      %get3A_198 = vector.shape_cast %get3A_197 : vector<1x16xf32> to vector<16xf32>
      %add3A_199 = arith.constant 256 : i32
      %add3A_200 = arith.addi %add3A_199, %add3A_171 : i32
      %get3A_201 = arith.index_cast %add3A_200 : i32 to index
      %get3A_202 = arith.constant 0 : index
      %get3A_203 = tpu.vector_load %arg7[%get3A_201, %get3A_202] {strides = array<i32>} : memref<384x128xf32, #tpu.memory_space<vmem>>, vector<1x16xf32>,
      %get3A_204 = vector.shape_cast %get3A_203 : vector<1x16xf32> to vector<16xf32>
      %sub3A_205 = arith.subf %get3A_198, %get3A_204 : vector<16xf32>
      %mul3A_206 = arith.mulf %get3A_192, %sub3A_205 : vector<16xf32>
      %add3A_207 = arith.addf %scan3A_160, %mul3A_206 : vector<16xf32>
      %get3A_208 = arith.index_cast %mul3A_169 : i32 to index
      %get3A_209 = arith.constant 16 : index
      %get3A_210 = tpu.vector_load %arg7[%get3A_208, %get3A_209] {strides = array<i32>} : memref<384x128xf32, #tpu.memory_space<vmem>>, vector<1x16xf32>,
      %get3A_211 = vector.shape_cast %get3A_210 : vector<1x16xf32> to vector<16xf32>
      %add3A_212 = arith.constant 128 : i32
      %add3A_213 = arith.addi %add3A_212, %mul3A_169 : i32
      %get3A_214 = arith.index_cast %add3A_213 : i32 to index
      %get3A_215 = arith.constant 16 : index
      %get3A_216 = tpu.vector_load %arg7[%get3A_214, %get3A_215] {strides = array<i32>} : memref<384x128xf32, #tpu.memory_space<vmem>>, vector<1x16xf32>,
      %get3A_217 = vector.shape_cast %get3A_216 : vector<1x16xf32> to vector<16xf32>
      %add3A_218 = arith.constant 256 : i32
      %add3A_219 = arith.addi %add3A_218, %mul3A_169 : i32
      %get3A_220 = arith.index_cast %add3A_219 : i32 to index
      %get3A_221 = arith.constant 16 : index
      %get3A_222 = tpu.vector_load %arg7[%get3A_220, %get3A_221] {strides = array<i32>} : memref<384x128xf32, #tpu.memory_space<vmem>>, vector<1x16xf32>,
      %get3A_223 = vector.shape_cast %get3A_222 : vector<1x16xf32> to vector<16xf32>
      %sub3A_224 = arith.subf %get3A_217, %get3A_223 : vector<16xf32>
      %mul3A_225 = arith.mulf %get3A_211, %sub3A_224 : vector<16xf32>
      %add3A_226 = arith.addf %scan3A_153, %mul3A_225 : vector<16xf32>
      %get3A_227 = arith.index_cast %add3A_171 : i32 to index
      %get3A_228 = arith.constant 16 : index
      %get3A_229 = tpu.vector_load %arg7[%get3A_227, %get3A_228] {strides = array<i32>} : memref<384x128xf32, #tpu.memory_space<vmem>>, vector<1x16xf32>,
      %get3A_230 = vector.shape_cast %get3A_229 : vector<1x16xf32> to vector<16xf32>
      %add3A_231 = arith.constant 128 : i32
      %add3A_232 = arith.addi %add3A_231, %add3A_171 : i32
      %get3A_233 = arith.index_cast %add3A_232 : i32 to index
      %get3A_234 = arith.constant 16 : index
      %get3A_235 = tpu.vector_load %arg7[%get3A_233, %get3A_234] {strides = array<i32>} : memref<384x128xf32, #tpu.memory_space<vmem>>, vector<1x16xf32>,
      %get3A_236 = vector.shape_cast %get3A_235 : vector<1x16xf32> to vector<16xf32>
      %add3A_237 = arith.constant 256 : i32
      %add3A_238 = arith.addi %add3A_237, %add3A_171 : i32
      %get3A_239 = arith.index_cast %add3A_238 : i32 to index
      %get3A_240 = arith.constant 16 : index
      %get3A_241 = tpu.vector_load %arg7[%get3A_239, %get3A_240] {strides = array<i32>} : memref<384x128xf32, #tpu.memory_space<vmem>>, vector<1x16xf32>,
      %get3A_242 = vector.shape_cast %get3A_241 : vector<1x16xf32> to vector<16xf32>
      %sub3A_243 = arith.subf %get3A_236, %get3A_242 : vector<16xf32>
      %mul3A_244 = arith.mulf %get3A_230, %sub3A_243 : vector<16xf32>
      %add3A_245 = arith.addf %scan3A_161, %mul3A_244 : vector<16xf32>
      %get3A_246 = arith.index_cast %mul3A_169 : i32 to index
      %get3A_247 = arith.constant 32 : index
      %get3A_248 = tpu.vector_load %arg7[%get3A_246, %get3A_247] {strides = array<i32>} : memref<384x128xf32, #tpu.memory_space<vmem>>, vector<1x16xf32>,
      %get3A_249 = vector.shape_cast %get3A_248 : vector<1x16xf32> to vector<16xf32>
      %add3A_250 = arith.constant 128 : i32
      %add3A_251 = arith.addi %add3A_250, %mul3A_169 : i32
      %get3A_252 = arith.index_cast %add3A_251 : i32 to index
      %get3A_253 = arith.constant 32 : index
      %get3A_254 = tpu.vector_load %arg7[%get3A_252, %get3A_253] {strides = array<i32>} : memref<384x128xf32, #tpu.memory_space<vmem>>, vector<1x16xf32>,
      %get3A_255 = vector.shape_cast %get3A_254 : vector<1x16xf32> to vector<16xf32>
      %add3A_256 = arith.constant 256 : i32
      %add3A_257 = arith.addi %add3A_256, %mul3A_169 : i32
      %get3A_258 = arith.index_cast %add3A_257 : i32 to index
      %get3A_259 = arith.constant 32 : index
      %get3A_260 = tpu.vector_load %arg7[%get3A_258, %get3A_259] {strides = array<i32>} : memref<384x128xf32, #tpu.memory_space<vmem>>, vector<1x16xf32>,
      %get3A_261 = vector.shape_cast %get3A_260 : vector<1x16xf32> to vector<16xf32>
      %sub3A_262 = arith.subf %get3A_255, %get3A_261 : vector<16xf32>
      %mul3A_263 = arith.mulf %get3A_249, %sub3A_262 : vector<16xf32>
      %add3A_264 = arith.addf %scan3A_154, %mul3A_263 : vector<16xf32>
      %get3A_265 = arith.index_cast %add3A_171 : i32 to index
      %get3A_266 = arith.constant 32 : index
      %get3A_267 = tpu.vector_load %arg7[%get3A_265, %get3A_266] {strides = array<i32>} : memref<384x128xf32, #tpu.memory_space<vmem>>, vector<1x16xf32>,
      %get3A_268 = vector.shape_cast %get3A_267 : vector<1x16xf32> to vector<16xf32>
      %add3A_269 = arith.constant 128 : i32
      %add3A_270 = arith.addi %add3A_269, %add3A_171 : i32
      %get3A_271 = arith.index_cast %add3A_270 : i32 to index
      %get3A_272 = arith.constant 32 : index
      %get3A_273 = tpu.vector_load %arg7[%get3A_271, %get3A_272] {strides = array<i32>} : memref<384x128xf32, #tpu.memory_space<vmem>>, vector<1x16xf32>,
      %get3A_274 = vector.shape_cast %get3A_273 : vector<1x16xf32> to vector<16xf32>
      %add3A_275 = arith.constant 256 : i32
      %add3A_276 = arith.addi %add3A_275, %add3A_171 : i32
      %get3A_277 = arith.index_cast %add3A_276 : i32 to index
      %get3A_278 = arith.constant 32 : index
      %get3A_279 = tpu.vector_load %arg7[%get3A_277, %get3A_278] {strides = array<i32>} : memref<384x128xf32, #tpu.memory_space<vmem>>, vector<1x16xf32>,
      %get3A_280 = vector.shape_cast %get3A_279 : vector<1x16xf32> to vector<16xf32>
      %sub3A_281 = arith.subf %get3A_274, %get3A_280 : vector<16xf32>
      %mul3A_282 = arith.mulf %get3A_268, %sub3A_281 : vector<16xf32>
      %add3A_283 = arith.addf %scan3A_162, %mul3A_282 : vector<16xf32>
      %get3A_284 = arith.index_cast %mul3A_169 : i32 to index
      %get3A_285 = arith.constant 48 : index
      %get3A_286 = tpu.vector_load %arg7[%get3A_284, %get3A_285] {strides = array<i32>} : memref<384x128xf32, #tpu.memory_space<vmem>>, vector<1x16xf32>,
      %get3A_287 = vector.shape_cast %get3A_286 : vector<1x16xf32> to vector<16xf32>
      %add3A_288 = arith.constant 128 : i32
      %add3A_289 = arith.addi %add3A_288, %mul3A_169 : i32
      %get3A_290 = arith.index_cast %add3A_289 : i32 to index
      %get3A_291 = arith.constant 48 : index
      %get3A_292 = tpu.vector_load %arg7[%get3A_290, %get3A_291] {strides = array<i32>} : memref<384x128xf32, #tpu.memory_space<vmem>>, vector<1x16xf32>,
      %get3A_293 = vector.shape_cast %get3A_292 : vector<1x16xf32> to vector<16xf32>
      %add3A_294 = arith.constant 256 : i32
      %add3A_295 = arith.addi %add3A_294, %mul3A_169 : i32
      %get3A_296 = arith.index_cast %add3A_295 : i32 to index
      %get3A_297 = arith.constant 48 : index
      %get3A_298 = tpu.vector_load %arg7[%get3A_296, %get3A_297] {strides = array<i32>} : memref<384x128xf32, #tpu.memory_space<vmem>>, vector<1x16xf32>,
      %get3A_299 = vector.shape_cast %get3A_298 : vector<1x16xf32> to vector<16xf32>
      %sub3A_300 = arith.subf %get3A_293, %get3A_299 : vector<16xf32>
      %mul3A_301 = arith.mulf %get3A_287, %sub3A_300 : vector<16xf32>
      %add3A_302 = arith.addf %scan3A_155, %mul3A_301 : vector<16xf32>
      %get3A_303 = arith.index_cast %add3A_171 : i32 to index
      %get3A_304 = arith.constant 48 : index
      %get3A_305 = tpu.vector_load %arg7[%get3A_303, %get3A_304] {strides = array<i32>} : memref<384x128xf32, #tpu.memory_space<vmem>>, vector<1x16xf32>,
      %get3A_306 = vector.shape_cast %get3A_305 : vector<1x16xf32> to vector<16xf32>
      %add3A_307 = arith.constant 128 : i32
      %add3A_308 = arith.addi %add3A_307, %add3A_171 : i32
      %get3A_309 = arith.index_cast %add3A_308 : i32 to index
      %get3A_310 = arith.constant 48 : index
      %get3A_311 = tpu.vector_load %arg7[%get3A_309, %get3A_310] {strides = array<i32>} : memref<384x128xf32, #tpu.memory_space<vmem>>, vector<1x16xf32>,
      %get3A_312 = vector.shape_cast %get3A_311 : vector<1x16xf32> to vector<16xf32>
      %add3A_313 = arith.constant 256 : i32
      %add3A_314 = arith.addi %add3A_313, %add3A_171 : i32
      %get3A_315 = arith.index_cast %add3A_314 : i32 to index
      %get3A_316 = arith.constant 48 : index
      %get3A_317 = tpu.vector_load %arg7[%get3A_315, %get3A_316] {strides = array<i32>} : memref<384x128xf32, #tpu.memory_space<vmem>>, vector<1x16xf32>,
      %get3A_318 = vector.shape_cast %get3A_317 : vector<1x16xf32> to vector<16xf32>
      %sub3A_319 = arith.subf %get3A_312, %get3A_318 : vector<16xf32>
      %mul3A_320 = arith.mulf %get3A_306, %sub3A_319 : vector<16xf32>
      %add3A_321 = arith.addf %scan3A_163, %mul3A_320 : vector<16xf32>
      %get3A_322 = arith.index_cast %mul3A_169 : i32 to index
      %get3A_323 = arith.constant 64 : index
      %get3A_324 = tpu.vector_load %arg7[%get3A_322, %get3A_323] {strides = array<i32>} : memref<384x128xf32, #tpu.memory_space<vmem>>, vector<1x16xf32>,
      %get3A_325 = vector.shape_cast %get3A_324 : vector<1x16xf32> to vector<16xf32>
      %add3A_326 = arith.constant 128 : i32
      %add3A_327 = arith.addi %add3A_326, %mul3A_169 : i32
      %get3A_328 = arith.index_cast %add3A_327 : i32 to index
      %get3A_329 = arith.constant 64 : index
      %get3A_330 = tpu.vector_load %arg7[%get3A_328, %get3A_329] {strides = array<i32>} : memref<384x128xf32, #tpu.memory_space<vmem>>, vector<1x16xf32>,
      %get3A_331 = vector.shape_cast %get3A_330 : vector<1x16xf32> to vector<16xf32>
      %add3A_332 = arith.constant 256 : i32
      %add3A_333 = arith.addi %add3A_332, %mul3A_169 : i32
      %get3A_334 = arith.index_cast %add3A_333 : i32 to index
      %get3A_335 = arith.constant 64 : index
      %get3A_336 = tpu.vector_load %arg7[%get3A_334, %get3A_335] {strides = array<i32>} : memref<384x128xf32, #tpu.memory_space<vmem>>, vector<1x16xf32>,
      %get3A_337 = vector.shape_cast %get3A_336 : vector<1x16xf32> to vector<16xf32>
      %sub3A_338 = arith.subf %get3A_331, %get3A_337 : vector<16xf32>
      %mul3A_339 = arith.mulf %get3A_325, %sub3A_338 : vector<16xf32>
      %add3A_340 = arith.addf %scan3A_156, %mul3A_339 : vector<16xf32>
      %get3A_341 = arith.index_cast %add3A_171 : i32 to index
      %get3A_342 = arith.constant 64 : index
      %get3A_343 = tpu.vector_load %arg7[%get3A_341, %get3A_342] {strides = array<i32>} : memref<384x128xf32, #tpu.memory_space<vmem>>, vector<1x16xf32>,
      %get3A_344 = vector.shape_cast %get3A_343 : vector<1x16xf32> to vector<16xf32>
      %add3A_345 = arith.constant 128 : i32
      %add3A_346 = arith.addi %add3A_345, %add3A_171 : i32
      %get3A_347 = arith.index_cast %add3A_346 : i32 to index
      %get3A_348 = arith.constant 64 : index
      %get3A_349 = tpu.vector_load %arg7[%get3A_347, %get3A_348] {strides = array<i32>} : memref<384x128xf32, #tpu.memory_space<vmem>>, vector<1x16xf32>,
      %get3A_350 = vector.shape_cast %get3A_349 : vector<1x16xf32> to vector<16xf32>
      %add3A_351 = arith.constant 256 : i32
      %add3A_352 = arith.addi %add3A_351, %add3A_171 : i32
      %get3A_353 = arith.index_cast %add3A_352 : i32 to index
      %get3A_354 = arith.constant 64 : index
      %get3A_355 = tpu.vector_load %arg7[%get3A_353, %get3A_354] {strides = array<i32>} : memref<384x128xf32, #tpu.memory_space<vmem>>, vector<1x16xf32>,
      %get3A_356 = vector.shape_cast %get3A_355 : vector<1x16xf32> to vector<16xf32>
      %sub3A_357 = arith.subf %get3A_350, %get3A_356 : vector<16xf32>
      %mul3A_358 = arith.mulf %get3A_344, %sub3A_357 : vector<16xf32>
      %add3A_359 = arith.addf %scan3A_164, %mul3A_358 : vector<16xf32>
      %get3A_360 = arith.index_cast %mul3A_169 : i32 to index
      %get3A_361 = arith.constant 80 : index
      %get3A_362 = tpu.vector_load %arg7[%get3A_360, %get3A_361] {strides = array<i32>} : memref<384x128xf32, #tpu.memory_space<vmem>>, vector<1x16xf32>,
      %get3A_363 = vector.shape_cast %get3A_362 : vector<1x16xf32> to vector<16xf32>
      %add3A_364 = arith.constant 128 : i32
      %add3A_365 = arith.addi %add3A_364, %mul3A_169 : i32
      %get3A_366 = arith.index_cast %add3A_365 : i32 to index
      %get3A_367 = arith.constant 80 : index
      %get3A_368 = tpu.vector_load %arg7[%get3A_366, %get3A_367] {strides = array<i32>} : memref<384x128xf32, #tpu.memory_space<vmem>>, vector<1x16xf32>,
      %get3A_369 = vector.shape_cast %get3A_368 : vector<1x16xf32> to vector<16xf32>
      %add3A_370 = arith.constant 256 : i32
      %add3A_371 = arith.addi %add3A_370, %mul3A_169 : i32
      %get3A_372 = arith.index_cast %add3A_371 : i32 to index
      %get3A_373 = arith.constant 80 : index
      %get3A_374 = tpu.vector_load %arg7[%get3A_372, %get3A_373] {strides = array<i32>} : memref<384x128xf32, #tpu.memory_space<vmem>>, vector<1x16xf32>,
      %get3A_375 = vector.shape_cast %get3A_374 : vector<1x16xf32> to vector<16xf32>
      %sub3A_376 = arith.subf %get3A_369, %get3A_375 : vector<16xf32>
      %mul3A_377 = arith.mulf %get3A_363, %sub3A_376 : vector<16xf32>
      %add3A_378 = arith.addf %scan3A_157, %mul3A_377 : vector<16xf32>
      %get3A_379 = arith.index_cast %add3A_171 : i32 to index
      %get3A_380 = arith.constant 80 : index
      %get3A_381 = tpu.vector_load %arg7[%get3A_379, %get3A_380] {strides = array<i32>} : memref<384x128xf32, #tpu.memory_space<vmem>>, vector<1x16xf32>,
      %get3A_382 = vector.shape_cast %get3A_381 : vector<1x16xf32> to vector<16xf32>
      %add3A_383 = arith.constant 128 : i32
      %add3A_384 = arith.addi %add3A_383, %add3A_171 : i32
      %get3A_385 = arith.index_cast %add3A_384 : i32 to index
      %get3A_386 = arith.constant 80 : index
      %get3A_387 = tpu.vector_load %arg7[%get3A_385, %get3A_386] {strides = array<i32>} : memref<384x128xf32, #tpu.memory_space<vmem>>, vector<1x16xf32>,
      %get3A_388 = vector.shape_cast %get3A_387 : vector<1x16xf32> to vector<16xf32>
      %add3A_389 = arith.constant 256 : i32
      %add3A_390 = arith.addi %add3A_389, %add3A_171 : i32
      %get3A_391 = arith.index_cast %add3A_390 : i32 to index
      %get3A_392 = arith.constant 80 : index
      %get3A_393 = tpu.vector_load %arg7[%get3A_391, %get3A_392] {strides = array<i32>} : memref<384x128xf32, #tpu.memory_space<vmem>>, vector<1x16xf32>,
      %get3A_394 = vector.shape_cast %get3A_393 : vector<1x16xf32> to vector<16xf32>
      %sub3A_395 = arith.subf %get3A_388, %get3A_394 : vector<16xf32>
      %mul3A_396 = arith.mulf %get3A_382, %sub3A_395 : vector<16xf32>
      %add3A_397 = arith.addf %scan3A_165, %mul3A_396 : vector<16xf32>
      %get3A_398 = arith.index_cast %mul3A_169 : i32 to index
      %get3A_399 = arith.constant 96 : index
      %get3A_400 = tpu.vector_load %arg7[%get3A_398, %get3A_399] {strides = array<i32>} : memref<384x128xf32, #tpu.memory_space<vmem>>, vector<1x16xf32>,
      %get3A_401 = vector.shape_cast %get3A_400 : vector<1x16xf32> to vector<16xf32>
      %add3A_402 = arith.constant 128 : i32
      %add3A_403 = arith.addi %add3A_402, %mul3A_169 : i32
      %get3A_404 = arith.index_cast %add3A_403 : i32 to index
      %get3A_405 = arith.constant 96 : index
      %get3A_406 = tpu.vector_load %arg7[%get3A_404, %get3A_405] {strides = array<i32>} : memref<384x128xf32, #tpu.memory_space<vmem>>, vector<1x16xf32>,
      %get3A_407 = vector.shape_cast %get3A_406 : vector<1x16xf32> to vector<16xf32>
      %add3A_408 = arith.constant 256 : i32
      %add3A_409 = arith.addi %add3A_408, %mul3A_169 : i32
      %get3A_410 = arith.index_cast %add3A_409 : i32 to index
      %get3A_411 = arith.constant 96 : index
      %get3A_412 = tpu.vector_load %arg7[%get3A_410, %get3A_411] {strides = array<i32>} : memref<384x128xf32, #tpu.memory_space<vmem>>, vector<1x16xf32>,
      %get3A_413 = vector.shape_cast %get3A_412 : vector<1x16xf32> to vector<16xf32>
      %sub3A_414 = arith.subf %get3A_407, %get3A_413 : vector<16xf32>
      %mul3A_415 = arith.mulf %get3A_401, %sub3A_414 : vector<16xf32>
      %add3A_416 = arith.addf %scan3A_158, %mul3A_415 : vector<16xf32>
      %get3A_417 = arith.index_cast %add3A_171 : i32 to index
      %get3A_418 = arith.constant 96 : index
      %get3A_419 = tpu.vector_load %arg7[%get3A_417, %get3A_418] {strides = array<i32>} : memref<384x128xf32, #tpu.memory_space<vmem>>, vector<1x16xf32>,
      %get3A_420 = vector.shape_cast %get3A_419 : vector<1x16xf32> to vector<16xf32>
      %add3A_421 = arith.constant 128 : i32
      %add3A_422 = arith.addi %add3A_421, %add3A_171 : i32
      %get3A_423 = arith.index_cast %add3A_422 : i32 to index
      %get3A_424 = arith.constant 96 : index
      %get3A_425 = tpu.vector_load %arg7[%get3A_423, %get3A_424] {strides = array<i32>} : memref<384x128xf32, #tpu.memory_space<vmem>>, vector<1x16xf32>,
      %get3A_426 = vector.shape_cast %get3A_425 : vector<1x16xf32> to vector<16xf32>
      %add3A_427 = arith.constant 256 : i32
      %add3A_428 = arith.addi %add3A_427, %add3A_171 : i32
      %get3A_429 = arith.index_cast %add3A_428 : i32 to index
      %get3A_430 = arith.constant 96 : index
      %get3A_431 = tpu.vector_load %arg7[%get3A_429, %get3A_430] {strides = array<i32>} : memref<384x128xf32, #tpu.memory_space<vmem>>, vector<1x16xf32>,
      %get3A_432 = vector.shape_cast %get3A_431 : vector<1x16xf32> to vector<16xf32>
      %sub3A_433 = arith.subf %get3A_426, %get3A_432 : vector<16xf32>
      %mul3A_434 = arith.mulf %get3A_420, %sub3A_433 : vector<16xf32>
      %add3A_435 = arith.addf %scan3A_166, %mul3A_434 : vector<16xf32>
      %get3A_436 = arith.index_cast %mul3A_169 : i32 to index
      %get3A_437 = arith.constant 112 : index
      %get3A_438 = tpu.vector_load %arg7[%get3A_436, %get3A_437] {strides = array<i32>} : memref<384x128xf32, #tpu.memory_space<vmem>>, vector<1x16xf32>,
      %get3A_439 = vector.shape_cast %get3A_438 : vector<1x16xf32> to vector<16xf32>
      %add3A_440 = arith.constant 128 : i32
      %add3A_441 = arith.addi %add3A_440, %mul3A_169 : i32
      %get3A_442 = arith.index_cast %add3A_441 : i32 to index
      %get3A_443 = arith.constant 112 : index
      %get3A_444 = tpu.vector_load %arg7[%get3A_442, %get3A_443] {strides = array<i32>} : memref<384x128xf32, #tpu.memory_space<vmem>>, vector<1x16xf32>,
      %get3A_445 = vector.shape_cast %get3A_444 : vector<1x16xf32> to vector<16xf32>
      %add3A_446 = arith.constant 256 : i32
      %add3A_447 = arith.addi %add3A_446, %mul3A_169 : i32
      %get3A_448 = arith.index_cast %add3A_447 : i32 to index
      %get3A_449 = arith.constant 112 : index
      %get3A_450 = tpu.vector_load %arg7[%get3A_448, %get3A_449] {strides = array<i32>} : memref<384x128xf32, #tpu.memory_space<vmem>>, vector<1x16xf32>,
      %get3A_451 = vector.shape_cast %get3A_450 : vector<1x16xf32> to vector<16xf32>
      %sub3A_452 = arith.subf %get3A_445, %get3A_451 : vector<16xf32>
      %mul3A_453 = arith.mulf %get3A_439, %sub3A_452 : vector<16xf32>
      %add3A_454 = arith.addf %scan3A_159, %mul3A_453 : vector<16xf32>
      %get3A_455 = arith.index_cast %add3A_171 : i32 to index
      %get3A_456 = arith.constant 112 : index
      %get3A_457 = tpu.vector_load %arg7[%get3A_455, %get3A_456] {strides = array<i32>} : memref<384x128xf32, #tpu.memory_space<vmem>>, vector<1x16xf32>,
      %get3A_458 = vector.shape_cast %get3A_457 : vector<1x16xf32> to vector<16xf32>
      %add3A_459 = arith.constant 128 : i32
      %add3A_460 = arith.addi %add3A_459, %add3A_171 : i32
      %get3A_461 = arith.index_cast %add3A_460 : i32 to index
      %get3A_462 = arith.constant 112 : index
      %get3A_463 = tpu.vector_load %arg7[%get3A_461, %get3A_462] {strides = array<i32>} : memref<384x128xf32, #tpu.memory_space<vmem>>, vector<1x16xf32>,
      %get3A_464 = vector.shape_cast %get3A_463 : vector<1x16xf32> to vector<16xf32>
      %add3A_465 = arith.constant 256 : i32
      %add3A_466 = arith.addi %add3A_465, %add3A_171 : i32
      %get3A_467 = arith.index_cast %add3A_466 : i32 to index
      %get3A_468 = arith.constant 112 : index
      %get3A_469 = tpu.vector_load %arg7[%get3A_467, %get3A_468] {strides = array<i32>} : memref<384x128xf32, #tpu.memory_space<vmem>>, vector<1x16xf32>,
      %get3A_470 = vector.shape_cast %get3A_469 : vector<1x16xf32> to vector<16xf32>
      %sub3A_471 = arith.subf %get3A_464, %get3A_470 : vector<16xf32>
      %mul3A_472 = arith.mulf %get3A_458, %sub3A_471 : vector<16xf32>
      %add3A_473 = arith.addf %scan3A_167, %mul3A_472 : vector<16xf32>
      scf.yield %add3A_188, %add3A_226, %add3A_264, %add3A_302, %add3A_340, %add3A_378, %add3A_416, %add3A_454, %add3A_207, %add3A_245, %add3A_283, %add3A_321, %add3A_359, %add3A_397, %add3A_435, %add3A_473 : vector<16xf32>, vector<16xf32>, vector<16xf32>, vector<16xf32>, vector<16xf32>, vector<16xf32>, vector<16xf32>, vector<16xf32>, vector<16xf32>, vector<16xf32>, vector<16xf32>, vector<16xf32>, vector<16xf32>, vector<16xf32>, vector<16xf32>, vector<16xf32>
    }
    %scan3A_132 = arith.constant 64 : i32
    %add3A_133 = arith.addf %scan3A_131#0, %scan3A_131#1 : vector<16xf32>
    %add3A_134 = arith.addf %add3A_133, %scan3A_131#2 : vector<16xf32>
    %add3A_135 = arith.addf %add3A_134, %scan3A_131#3 : vector<16xf32>
    %add3A_136 = arith.addf %add3A_135, %scan3A_131#4 : vector<16xf32>
    %add3A_137 = arith.addf %add3A_136, %scan3A_131#5 : vector<16xf32>
    %add3A_138 = arith.addf %add3A_137, %scan3A_131#6 : vector<16xf32>
    %add3A_139 = arith.addf %add3A_138, %scan3A_131#7 : vector<16xf32>
    %add3A_140 = arith.addf %add3A_139, %scan3A_131#8 : vector<16xf32>
    %add3A_141 = arith.addf %add3A_140, %scan3A_131#9 : vector<16xf32>
    %add3A_142 = arith.addf %add3A_141, %scan3A_131#10 : vector<16xf32>
    %add3A_143 = arith.addf %add3A_142, %scan3A_131#11 : vector<16xf32>
    %add3A_144 = arith.addf %add3A_143, %scan3A_131#12 : vector<16xf32>
    %add3A_145 = arith.addf %add3A_144, %scan3A_131#13 : vector<16xf32>
    %add3A_146 = arith.addf %add3A_145, %scan3A_131#14 : vector<16xf32>
    %add3A_147 = arith.addf %add3A_146, %scan3A_131#15 : vector<16xf32>
    %swap3A = arith.constant 0 : index
    %swap3A_148 = tpu.vector_load %arg8[%swap3A] {strides = array<i32>} : memref<16xf32, #tpu.memory_space<vmem>>, vector<16xf32>,
    %swap3A_149 = vector.shape_cast %swap3A_148 : vector<16xf32> to vector<16xf32>
    %swap3A_150 = vector.shape_cast %add3A_147 : vector<16xf32> to vector<16xf32>
    tpu.vector_store %arg8[%swap3A], %swap3A_150 {strides = array<i32>} : memref<16xf32, #tpu.memory_space<vmem>>, vector<16xf32>,
    "tpu.region"() ({
      %run_scoped3A = tpu.sem_alloc : memref<!tpu.dma_semaphore, #tpu.memory_space<semaphore_mem>>
      %dma_start3A_151 = arith.constant 0 : i32
      %dma_start3A_152 = tpu.memref_slice %arg4[%add3A, %dma_start3A_151] : memref<32x16xf32, #tpu.memory_space<hbm>> -> memref<1x16xf32, #tpu.memory_space<hbm>>
      %dma_start3A_153 = tpu.memref_squeeze %dma_start3A_152 : memref<1x16xf32, #tpu.memory_space<hbm>> -> memref<16xf32, #tpu.memory_space<hbm>>
      %dma_start3A_154 = arith.constant 0 : i32
      %dma_start3A_155 = tpu.memref_slice %arg4[%add3A, %dma_start3A_154] : memref<32x16xf32, #tpu.memory_space<hbm>> -> memref<1x16xf32, #tpu.memory_space<hbm>>
      %dma_start3A_156 = tpu.memref_squeeze %dma_start3A_155 : memref<1x16xf32, #tpu.memory_space<hbm>> -> memref<16xf32, #tpu.memory_space<hbm>>
      tpu.enqueue_dma source(%arg8 : memref<16xf32, #tpu.memory_space<vmem>>) target(%dma_start3A_156 : memref<16xf32, #tpu.memory_space<hbm>>) target_semaphore(%run_scoped3A : memref<!tpu.dma_semaphore, #tpu.memory_space<semaphore_mem>>)
      %dma_wait3A_157 = arith.constant 0 : i32
      %dma_wait3A_158 = tpu.memref_slice %arg4[%add3A, %dma_wait3A_157] : memref<32x16xf32, #tpu.memory_space<hbm>> -> memref<1x16xf32, #tpu.memory_space<hbm>>
      %dma_wait3A_159 = tpu.memref_squeeze %dma_wait3A_158 : memref<1x16xf32, #tpu.memory_space<hbm>> -> memref<16xf32, #tpu.memory_space<hbm>>
      %dma_wait3A_160 = arith.constant 0 : i32
      %dma_wait3A_161 = tpu.memref_slice %arg4[%add3A, %dma_wait3A_160] : memref<32x16xf32, #tpu.memory_space<hbm>> -> memref<1x16xf32, #tpu.memory_space<hbm>>
      %dma_wait3A_162 = tpu.memref_squeeze %dma_wait3A_161 : memref<1x16xf32, #tpu.memory_space<hbm>> -> memref<16xf32, #tpu.memory_space<hbm>>
      tpu.wait_dma2 semaphore(%run_scoped3A : memref<!tpu.dma_semaphore, #tpu.memory_space<semaphore_mem>>) src(%arg8 : memref<16xf32, #tpu.memory_space<vmem>>) dst(%dma_wait3A_162 : memref<16xf32, #tpu.memory_space<hbm>>)
      tpu.yield
    }) : () -> ()
    return
  }
}

</mosaic_0001>

<sc_bundles>
// kernel: kernel.3.cloned.1.call-start
scs
__scs_entry_jumppad:
0x0: {  	(pc) =	sbr.rel $0x88, $3  }
0x1: {  	(tag) =	ssettag $0x0;
	lr =	simm.s32 $0x1  }
0x2: {  	[smem:$0x3F9D] =	sst lr;
	_ =	strace $0xD0000000  }
0x3: {  	_ = 	snop  }
0x4: {  	_ = 	snop  }
0x5: {  	_ = 	snop  }
0x6: {  	_ = 	snop  }
0x7: {  	_ = 	snop  }
__scs_overlays_trampoline_lowered:
0x8: {  	[smem:$0x3FAC] =	sst s0  }
0x9: {  	[smem:$0x3FAD] =	sst s1  }
0xa: {  	[smem:$0x3FAE] =	sst s2  }
0xb: {  	[smem:$0x3FAF] =	sst s3  }
0xc: {  	[smem:$0x3FB0] =	sst s4  }
0xd: {  	[smem:$0x3FB1] =	sst s5  }
0xe: {  	[smem:$0x3FB2] =	sst s6  }
0xf: {  	[smem:$0x3FB3] =	sst s7  }
0x10: {  	[smem:$0x3FB4] =	sst s8  }
0x11: {  	[smem:$0x3FB5] =	sst s9;
	s0 =	simm.s32 @!p0 $0x0  }
0x12: {  	s1 =	sld [smem:$0x3F9B];
	s0 =	simm.s32 @p0 $0x1  }
0x13: {  	[smem:$0x3FB6] =	sst s0;
	s0 =	simm.s32 @!p1 $0x0  }
0x14: {  	s2 =	sld [smem:$0x3F9A];
	s0 =	simm.s32 @p1 $0x1  }
0x15: {  	[smem:$0x3FB7] =	sst s0;
	s0 =	simm.s32 @!p2 $0x0  }
0x16: {  	s3 =	sld [smem:$0x3FDB];
	s0 =	simm.s32 @p2 $0x1  }
0x17: {  	s4 =	simm.s32 $0x1BF5;
	[smem:$0x3FB9] =	sst s0  }
0x18: {  	s0 =	sld [smem:$0x3F9C];
	_ =	swait.ge [sflag:s4], $0x0  }
0x19: {  	s7 =	sld [smem:$0x3F9D]  }
0x1a: {  	s8 =	sadd.s32 $0xFFFFE003, lr  }
0x1b: {  	s9 =	sadd.s32 $0xFFFFFEF7, lr;
	s5 =	simm.s32 $0xFFFFFFFF;
	p2 =	slt.u32 s8, $0xFFFFF086  }
0x1c: {  	p1 =	slt.u32 s9, $0xF7A;
	s5 =	simm.s32 @!p2 $0x0  }
0x1d: {  	s5 =	simm.s32 @p1 $0x1;
	p0 =	seq.s32 s7, s2  }
0x1e: {  	s7 =	smul.u32 @!p0 $0xF7A, s2;
	p2 =	seq.s32 @!p0 s5, $0x0  }
0x1f: {  	s9 =	smul.u32 $0xF7A, s1;
	s8 =	simm.s32 @!p0 $0x1BF5;
	p2 =	por !p2, p0  }
0x20: {  	[sflag:s8] =	ssyncset.s32 @!p0 $0xFFFFF086;
	s6 =	sadd.s32 @!p0 s3, s7;
	s7 =	simm.s32 @!p0 $0x108  }
0x21: {  	s3 =	sadd.s32 s3, s9;
	s6 =	sadd.s32 @!p0 $0x88, s6;
	s7 =	simm.s32 @p2 $0x1082  }
0x22: {  	[simem:s7], [sflag:s8] =	dma.local @!p0 [hbm:s6], $0xF7A  }
0x23: {  	s9 =	sor.u32 $0xD0000000, s2;
	s6 =	simm.s32 $0x108;
	_ =	swait.ge @!p0 [sflag:s8], $0x0  }
0x24: {  	s3 =	sadd.s32 $0x88, s3;
	s6 =	simm.s32 @!p1 $0x1082;
	[sflag:s4] =	ssyncset.s32 $0xFFFFF086  }
0x25: {  	[simem:s6], [sflag:s4] =	dma.local [hbm:s3], $0xF7A  }
0x26: {  	[smem:$0x3F9D] =	sst s1;
	(tag) =	ssettag s2;
	_ =	strace s9  }
0x27: {  	s1 =	sld [smem:$0x3FAD]  }
0x28: {  	s2 =	sld [smem:$0x3FAE]  }
0x29: {  	s4 =	sld [smem:$0x3FB0]  }
0x2a: {  	p0 =	seq.s32 s5, $0x0;
	s5 =	sld [smem:$0x3FB1]  }
0x2b: {  	s6 =	sld [smem:$0x3FB2]  }
0x2c: {  	s7 =	sld [smem:$0x3FB3]  }
0x2d: {  	s3 =	simm.s32 $0x108;
	s8 =	sld [smem:$0x3FB4]  }
0x2e: {  	s3 =	simm.s32 @!p0 $0x1082;
	s9 =	sld [smem:$0x3FB5]  }
0x2f: {  	lr =	sadd.s32 s0, s3;
	s0 =	sld [smem:$0x3FAC]  }
0x30: {  	s3 =	sld [smem:$0x3FAF]  }
0x31: {  	[smem:$0x3FB8] =	sst s10  }
0x32: {  	s10 =	sld [smem:$0x3FB6];
	_ =	sdelay $0x3  }
0x33: {  	p0 =	seq.s32 s10, $0x1;
	s10 =	sld [smem:$0x3FB8];
	_ =	sdelay $0x3  }
0x34: {  	[smem:$0x3FB8] =	sst s10  }
0x35: {  	s10 =	sld [smem:$0x3FB7];
	_ =	sdelay $0x3  }
0x36: {  	p1 =	seq.s32 s10, $0x1;
	s10 =	sld [smem:$0x3FB8];
	_ =	sdelay $0x3  }
0x37: {  	[smem:$0x3FB8] =	sst s10  }
0x38: {  	s10 =	sld [smem:$0x3FB9]  }
0x39: {  	_ = 	snop;
	(pc) =	sbr.ind lr, $3  }
0x3a: {  	_ = 	snop  }
0x3b: {  	_ = 	snop  }
0x3c: {  	p2 =	seq.s32 s10, $0x1;
	s10 =	sld [smem:$0x3FB8]  }
0x3d: {  	_ =	shalt  }
0x3e: {  	_ =	shalt  }
0x3f: {  	_ =	shalt  }
0x40: {  	_ =	shalt  }
0x41: {  	_ =	shalt  }
0x42: {  	_ =	shalt  }
0x43: {  	_ =	shalt  }
0x44: {  	_ =	shalt  }
0x45: {  	_ =	shalt  }
0x46: {  	_ =	shalt  }
0x47: {  	_ =	shalt  }
0x48: {  	_ =	shalt  }
0x49: {  	_ =	shalt  }
0x4a: {  	_ =	shalt  }
0x4b: {  	_ =	shalt  }
0x4c: {  	_ =	shalt  }
0x4d: {  	_ =	shalt  }
0x4e: {  	_ =	shalt  }
0x4f: {  	_ =	shalt  }
0x50: {  	_ =	shalt  }
0x51: {  	_ =	shalt  }
0x52: {  	_ =	shalt  }
0x53: {  	_ =	shalt  }
0x54: {  	_ =	shalt  }
0x55: {  	_ =	shalt  }
0x56: {  	_ =	shalt  }
0x57: {  	_ =	shalt  }
0x58: {  	_ =	shalt  }
0x59: {  	_ =	shalt  }
0x5a: {  	_ =	shalt  }
0x5b: {  	_ =	shalt  }
0x5c: {  	_ =	shalt  }
0x5d: {  	_ =	shalt  }
0x5e: {  	_ =	shalt  }
0x5f: {  	_ =	shalt  }
0x60: {  	_ =	shalt  }
0x61: {  	_ =	shalt  }
0x62: {  	_ =	shalt  }
0x63: {  	_ =	shalt  }
0x64: {  	_ =	shalt  }
0x65: {  	_ =	shalt  }
0x66: {  	_ =	shalt  }
0x67: {  	_ =	shalt  }
0x68: {  	_ =	shalt  }
0x69: {  	_ =	shalt  }
0x6a: {  	_ =	shalt  }
0x6b: {  	_ =	shalt  }
0x6c: {  	_ =	shalt  }
0x6d: {  	_ =	shalt  }
0x6e: {  	_ =	shalt  }
0x6f: {  	_ =	shalt  }
0x70: {  	_ =	shalt  }
0x71: {  	_ =	shalt  }
0x72: {  	_ =	shalt  }
0x73: {  	_ =	shalt  }
0x74: {  	_ =	shalt  }
0x75: {  	_ =	shalt  }
0x76: {  	_ =	shalt  }
0x77: {  	_ =	shalt  }
0x78: {  	_ =	shalt  }
0x79: {  	_ =	shalt  }
0x7a: {  	_ =	shalt  }
0x7b: {  	_ =	shalt  }
0x7c: {  	_ =	shalt  }
0x7d: {  	_ =	shalt  }
0x7e: {  	_ =	shalt  }
0x7f: {  	_ =	shalt  }
0x80: {  	_ =	shalt  }
0x81: {  	_ =	shalt  }
0x82: {  	_ =	shalt  }
0x83: {  	_ =	shalt  }
0x84: {  	_ =	shalt  }
0x85: {  	_ =	shalt  }
0x86: {  	_ =	shalt  }
0x87: {  	_ =	shalt  }
.Lfunc_end0:
.L_simem_size_0:
called_computation_lowered:
.L_overlay_start_0:
0x88: {  	s2 =	sld [smem:$0x3FD9]  }
0x89: {  	s3 =	sld [smem:$0x3FFE];
	_ =	sdelay $0x1  }
0x8a: {  	s1 =	srdreg.scid  }
0x8b: {  	s0 =	sand.u32 $0x1, s1  }
0x8c: {  	s17 =	sshll.u32 s0, $0xA;
	s2 =	sadd.s32 s3, s2  }
0x8d: {  	s2 =	sadd.s32 s2, s17  }
0x8e: {  	[smem:$0x3FC4] =	sst s2  }
0x8f: {  	_ = 	snop  }
0x90: {  	s2 =	sld [smem:$0x3FC6];
	(tm) =	ssettm $0x1  }
0x91: {  	s18 =	sld [smem:$0x3FFB];
	_ =	sdelay $0x3  }
0x92: {  	_ =	strace s18  }
0x93: {  	s3 =	sld [smem:$0x3FFC];
	_ =	sdelay $0x3  }
0x94: {  	_ =	strace s3  }
0x95: {  	s3 =	sld [smem:$0x3FFD];
	_ =	sdelay $0x3  }
0x96: {  	_ =	strace s3  }
0x97: {  	_ =	strace $0x8FFFFFFF  }
0x98: {  	s19 =	sld [smem:$0x3FDB];
	_ =	sdelay $0x1  }
0x99: {  	s4 =	simm.s32 $_scs_section_size  }
0x9a: {  	s5 =	simm.s32 $_size__tile_overlayer_lowered;
	s6 =	simm.s32 $_tile_overlayer_lowered  }
0x9b: {  	s22 =	simm.s32 $0x1BFF;
	s21 =	sshll.u32 s6, $0x1;
	s3 =	sadd.s32 s4, s19  }
0x9c: {  	s7 =	simm.s32 $0x0;
	s20 =	sshll.u32 s5, $0x1;
	s5 =	sadd.s32 s21, s3  }
0x9d: {  	[timem:s7], [sflag:s22] =	dma.local [hbm:s5], s20  }
0x9e: {  	_ =	swait.ge [sflag:s22], s20  }
0x9f: {  	s4 =	ssub.s32 $0x0, s20;
	[sflag:s22] =	ssyncset.done $0x0  }
0xa0: {  	[sflag:s22] =	ssyncadd.s32 s4;
	_ =	sdelay $0x1  }
0xa1: {  	s23 =	simm.s32 $0x1B8B  }
0xa2: {  	_ =	swait.ge [sflag:s23], $0x1  }
0xa3: {  	[sflag:s23] =	ssyncset.done $0x0  }
0xa4: {  	s25 =	simm.s32 $0x1B8E;
	s24 =	sld [smem:$0x3FFE];
	[sflag:s23] =	ssyncadd.s32 $0xFFFFFFFF  }
0xa5: {  	s26 =	simm.s32 $execute0_lowered;
	[smem:$0x3FD2] =	sst s25  }
0xa6: {  	s5 =	sshll.u32 s26, $0x1;
	_ =	strace $0x80000046;
	[dreg:$0x1] =	wrdreg $0xFFFFFFFF  }
0xa7: {  	s28 =	simm.s32 $_size_execute0_lowered;
	s3 =	sadd.s32 s3, s5;
	[dreg:$0x0] =	wrdreg $0x0  }
0xa8: {  	s5 =	sshll.u32 s28, $0x1;
	[dreg:$0x2] =	wrdreg s3  }
0xa9: {  	[dreg:$0x3] =	wrdreg s5  }
0xaa: {  	[dreg:$0x4] =	wrdreg $0xC0  }
0xab: {  	_ =	task [dreg:s7], $0x5FFFF  }
0xac: {  	[dreg:$0x1] =	wrdreg $0xFFFFFFFF  }
0xad: {  	[dreg:$0x0] =	wrdreg $0x60  }
0xae: {  	[dreg:$0x2] =	wrdreg s24  }
0xaf: {  	[dreg:$0x3] =	wrdreg s2  }
0xb0: {  	[dreg:$0x4] =	wrdreg $0x9  }
0xb1: {  	_ =	task.clear_ibuf [dreg:s7], $0x5FFFF;
	_ =	strace $0x90000046  }
0xb2: {  	s29 =	simm.s32 $0x9;
	_ =	strace $0x80000048  }
0xb3: {  	_ =	swait.ge [sflag:s29], $0x1  }
0xb4: {  	[sflag:s29] =	ssyncadd.s32 $0xFFFFFFFF  }
0xb5: {  	_ =	strace $0x90000048  }
0xb6: {  	_ =	sfence  }
0xb7: {  	s30 =	sld [smem:$0x0];
	_ =	sdelay $0x2  }
0xb8: {  	s31 =	sshll.u32 s1, $0xD;
	s1 =	sshrl.u32 s1, $0x2  }
0xb9: {  	s3 =	sand.u32 $0x4000, s31;
	s1 =	sadd.s32 s1, s30  }
0xba: {  	s0 =	sor.u32 s3, s0;
	s1 =	sshll.u32 s1, $0x11  }
0xbb: {  	s0 =	sor.u32 s1, s0  }
0xbc: {  	s0 =	sadd.s32 $0x8F2B, s0  }
0xbd: {  	[sflag:s0] =	ssyncadd.remote.s32 $0x1  }
0xbe: {  	_ =	sfence.sel $0xFFFF  }
0xbf: {  	[dreg:$0x0] =	wrdreg $0xFFFFFFFF;
	(pc) =	sbr.abs _section_cstart, $3  }
0xc0: {  	[dreg:$0x1] =	wrdreg $0xFFFFFFFF  }
0xc1: {  	_ =	task.clear_ibuf [dreg:s7], $0x2FFFF;
	_ =	strace $0x9FFFFFFF  }
0xc2: {  	(tm) =	ssettm $0x7FFFFFFF  }
0xc3: {  	_ =	shalt  }
tec
execute0_lowered:
.L_overlay_start_1:
0x0: {  	(tag) =	ssettag $0x1  }
0x1: {  	s4 =	rddreg [dreg:$0x0]  }
0x2: {  	s2 =	rddreg [dreg:$0x1]  }
0x3: {  	s0 =	rddreg [dreg:$0x2]  }
0x4: {  	s3 =	simm.s32 $0x0;
	s5 =	srdreg.scid;
	s1 =	stileid.u32  }
0x5: {  	s10 =	simm.s32 $0x180;
	s11 =	simm.s32 $0x3;
	s12 =	simm.s32 $0x600  }
0x6: {  	s13 =	simm.s32 $0x4;
	s14 =	simm.s32 $0xC600;
	s15 =	simm.s32 $0x1  }
0x7: {  	s16 =	simm.s32 $0x300;
	s17 =	simm.s32 $0x2;
	s18 =	simm.s32 $0x480  }
0x8: {  	s19 =	simm.s32 $0x18600;
	s20 =	simm.s32 $0x5;
	s21 =	simm.s32 $0x0  }
0x9: {  	s5 =	sand.u32 $0x1, s5;
	s6 =	sshrl.u32 s1, $0x2;
	s7 =	sshll.u32 s1, $0x8  }
0xa: {  	[smem:$0x7FF] =	sst s3;
	s8 =	sshll.u32 s5, $0x7;
	s7 =	sand.u32 $0x300, s7  }
0xb: {  	s9 =	smul.u32 $0x3000, s6;
	s6 =	sshll.u32 s6, $0xA;
	s5 =	ssub.s32 $0x2, s5  }
0xc: {  	_ =	strace $0x80000047;
	s7 =	sor.u32 s8, s7;
	s30 =	sshrl.u32 s5, $0x1  }
0xd: {  	s8 =	simm.s32 $0x80;
	s6 =	sor.u32 s6, s7;
	s7 =	sor.u32 s9, s7  }
0xe: {  	s31 =	ssub.s32 s5, s30;
	s6 =	sshrl.u32 s6, $0x3;
	s7 =	sshrl.u32 s7, $0x3  }
0xf: {  	s9 =	simm.s32 $0x400;
	s6 =	sadd.s32 s6, s4;
	s4 =	sadd.s32 s4, s7  }
0x10: {  	s7 =	smax.u32 s31, $0x1;
	s5 =	sadd.s32 $0x180, s4;
	s6 =	sadd.s32 $0x1800, s6  }
.LBB2_1:
0x11: {  	[tilespmem:s3], [sflag:$0x3] =	stream.strided.gather [hbm4b:s4+s8], $0x180, s9, s8, $0x38;
	[tilespmem:$0x18680] =	vst v63  }
0x12: {  	_ = 	snop  }
0x13: {  	[tilespmem:s10], [sflag:$0x4] =	stream.strided.gather [hbm4b:s5+s8], $0x480, s9, s8, $0x38;
	[tilespmem:$0x18680] =	vst v63  }
0x14: {  	_ =	swait.ge [sflag:s11], $0x180  }
0x15: {  	[sflag:s11] =	ssyncset.done $0x0  }
0x16: {  	[sflag:s11] =	ssyncadd.s32 $0xFFFFFE80  }
0x17: {  	[tilespmem:s12], [sflag:$0x1] =	stream.indirect.gather [hbm4b:s2+s10], $0x80, s3, s10, $0xb8;
	[tilespmem:$0x18680] =	vst v63  }
0x18: {  	_ =	swait.ge [sflag:s13], $0x480  }
0x19: {  	[sflag:s13] =	ssyncset.done $0x0  }
0x1a: {  	[sflag:s13] =	ssyncadd.s32 $0xFFFFFB80  }
0x1b: {  	[tilespmem:s14], [sflag:$0x2] =	stream.indirect.gather [hbm4b:s2+s10], $0x80, s10, s10, $0xb8;
	[tilespmem:$0x18680] =	vst v63  }
0x1c: {  	_ =	swait.ge [sflag:s15], $0xC000  }
0x1d: {  	[sflag:s15] =	ssyncset.done $0x0  }
0x1e: {  	s23 =	simm.s32 $0x0;
	[sflag:s15] =	ssyncadd.s32 $0xFFFF4000  }
0x1f: {  	v0 =	vld [tilespmem:s23+$0x46F0]  }
0x20: {  	v1 =	vld [tilespmem:s23+$0x86F0]  }
0x21: {  	v2 =	vld [tilespmem:s23+$0x4600]  }
0x22: {  	v3 =	vld [tilespmem:s23+$0x6F0]  }
0x23: {  	v4 =	vld [tilespmem:s23+$0x8600]  }
0x24: {  	v5 =	vld [tilespmem:s23+$0x4680]  }
0x25: {  	v6 =	vld [tilespmem:s23+$0x8680]  }
0x26: {  	v7 =	vld [tilespmem:s23+$0x4610]  }
0x27: {  	v8 =	vld [tilespmem:s23+$0x8610]  }
0x28: {  	v9 =	vld [tilespmem:s23+$0x4690]  }
0x29: {  	v10 =	vld [tilespmem:s23+$0x8690]  }
0x2a: {  	v11 =	vld [tilespmem:s23+$0x4620]  }
0x2b: {  	v12 =	vld [tilespmem:s23+$0x8620]  }
0x2c: {  	v13 =	vld [tilespmem:s23+$0x46A0]  }
0x2d: {  	v14 =	vld [tilespmem:s23+$0x86A0]  }
0x2e: {  	v15 =	vld [tilespmem:s23+$0x4630]  }
0x2f: {  	v16 =	vld [tilespmem:s23+$0x8630]  }
0x30: {  	v17 =	vld [tilespmem:s23+$0x46B0]  }
0x31: {  	v18 =	vld [tilespmem:s23+$0x86B0]  }
0x32: {  	v19 =	vld [tilespmem:s23+$0x4640]  }
0x33: {  	v20 =	vld [tilespmem:s23+$0x8640]  }
0x34: {  	v21 =	vld [tilespmem:s23+$0x46C0]  }
0x35: {  	v22 =	vld [tilespmem:s23+$0x86C0]  }
0x36: {  	v23 =	vld [tilespmem:s23+$0x4650]  }
0x37: {  	v24 =	vld [tilespmem:s23+$0x8650]  }
0x38: {  	v25 =	vld [tilespmem:s23+$0x46D0]  }
0x39: {  	v26 =	vld [tilespmem:s23+$0x86D0]  }
0x3a: {  	v27 =	vld [tilespmem:s23+$0x4660]  }
0x3b: {  	v28 =	vld [tilespmem:s23+$0x8660]  }
0x3c: {  	v29 =	vld [tilespmem:s23+$0x46E0]  }
0x3d: {  	v30 =	vld [tilespmem:s23+$0x86E0]  }
0x3e: {  	v31 =	vld [tilespmem:s23+$0x4670]  }
0x3f: {  	v32 =	vld [tilespmem:s23+$0x8670]  }
0x40: {  	v33 =	vld [tilespmem:s23+$0x600]  }
0x41: {  	v34 =	vld [tilespmem:s23+$0x6A0];
	v0 =	vsub.f32 v0, v1;
	v2 =	vsub.f32 v2, v4  }
0x42: {  	v1 =	vld [tilespmem:s23+$0x680];
	v4 =	vsub.f32 v5, v6;
	v6 =	vsub.f32 v7, v8  }
0x43: {  	v5 =	vld [tilespmem:s23+$0x610];
	v7 =	vsub.f32 v9, v10;
	v11 =	vsub.f32 v11, v12  }
0x44: {  	v8 =	vld [tilespmem:s23+$0x690];
	v12 =	vsub.f32 v13, v14;
	v14 =	vsub.f32 v15, v16  }
0x45: {  	v15 =	vsub.f32 v17, v18;
	v35 =	vsub.f32 v19, v20;
	v20 =	vld [tilespmem:s23+$0x630];
	v0 =	vmul.f32 v0, v3  }
0x46: {  	v13 =	vld [tilespmem:s23+$0x620];
	v36 =	vsub.f32 v21, v22;
	v24 =	vsub.f32 v23, v24;
	v10 =	vimm.f32 $0.0e+00  }
0x47: {  	v16 =	vsub.f32 v25, v26;
	v21 =	vld [tilespmem:s23+$0x6B0];
	v9 =	vadd.f32 v0, v10;
	v0 =	vmul.f32 v2, v33  }
0x48: {  	v17 =	vsub.f32 v27, v28;
	v18 =	vsub.f32 v29, v30;
	v2 =	vld [tilespmem:s23+$0x640];
	v1 =	vmul.f32 v4, v1  }
0x49: {  	v5 =	vmul.f32 v6, v5;
	v3 =	vadd.f32 v0, v10;
	v0 =	vmul.f32 v7, v8  }
0x4a: {  	v19 =	vsub.f32 v31, v32;
	v8 =	vld [tilespmem:s23+$0x6C0];
	v7 =	vmul.f32 v12, v34;
	v12 =	vmul.f32 v14, v20  }
0x4b: {  	v4 =	vadd.f32 v1, v10;
	v5 =	vadd.f32 v5, v10;
	v1 =	vmul.f32 v11, v13;
	v11 =	vld [tilespmem:s23+$0x650]  }
0x4c: {  	v20 =	vld [tilespmem:s23+$0x6D0];
	v13 =	vmul.f32 v15, v21;
	v15 =	vimm.f32 $0.0e+00;
	v6 =	vadd.f32 v0, v10  }
0x4d: {  	v22 =	vld [tilespmem:s23+$0x660];
	v0 =	vadd.f32 v1, v10;
	v14 =	vmul.f32 v35, v2;
	v1 =	vadd.f32 v7, v10  }
0x4e: {  	v21 =	vld [tilespmem:s23+$0x6E0];
	v7 =	vadd.f32 v12, v10;
	v2 =	vadd.f32 v13, v10;
	v12 =	vimm.f32 $0.0e+00  }
0x4f: {  	s22 =	simm.s32 $0x100;
	v23 =	vld [tilespmem:s23+$0x670];
	v13 =	vimm.f32 $0.0e+00;
	v25 =	vmul.f32 v36, v8;
	v8 =	vadd.f32 v14, v10  }
0x50: {  	s23 =	simm.s32 $0x800;
	v14 =	vimm.f32 $0.0e+00;
	v26 =	vmul.f32 v24, v11;
	v11 =	vimm.f32 $0.0e+00;
	v24 =	vld [tilespmem:s22+$0x46F0]  }
.LBB2_2:
0x51: {  	p0 =	sne.s32 s23, $0xFC00;
	v27 =	vld [tilespmem:s22+$0x86F0];
	v10 =	vadd.f32 v25, v10;
	v16 =	vmul.f32 v16, v20  }
0x52: {  	v20 =	vld [tilespmem:s22+$0x4600];
	v15 =	vadd.f32 v26, v15;
	v17 =	vmul.f32 v17, v22  }
0x53: {  	v22 =	vld [tilespmem:s22+$0x6F0];
	v11 =	vadd.f32 v16, v11;
	v16 =	vmul.f32 v18, v21  }
0x54: {  	v18 =	vld [tilespmem:s22+$0x8600];
	v14 =	vadd.f32 v17, v14;
	v17 =	vmul.f32 v19, v23  }
0x55: {  	v19 =	vld [tilespmem:s22+$0x4680];
	v12 =	vadd.f32 v16, v12  }
0x56: {  	v16 =	vld [tilespmem:s22+$0x8680];
	v21 =	vsub.f32 v24, v27;
	v13 =	vadd.f32 v17, v13  }
0x57: {  	v17 =	vld [tilespmem:s22+$0x4610]  }
0x58: {  	v23 =	vld [tilespmem:s22+$0x8610];
	v21 =	vmul.f32 v21, v22  }
0x59: {  	v20 =	vsub.f32 v20, v18;
	v18 =	vld [tilespmem:s22+$0x4690]  }
0x5a: {  	v22 =	vld [tilespmem:s22+$0x8690];
	v9 =	vadd.f32 v21, v9  }
0x5b: {  	v21 =	vsub.f32 v19, v16;
	v16 =	vld [tilespmem:s22+$0x4620]  }
0x5c: {  	v19 =	vld [tilespmem:s22+$0x8620]  }
0x5d: {  	v23 =	vsub.f32 v17, v23;
	v17 =	vld [tilespmem:s22+$0x46A0]  }
0x5e: {  	v24 =	vld [tilespmem:s22+$0x86A0]  }
0x5f: {  	v22 =	vsub.f32 v18, v22;
	v18 =	vld [tilespmem:s22+$0x4630]  }
0x60: {  	v25 =	vld [tilespmem:s22+$0x8630]  }
0x61: {  	v26 =	vsub.f32 v16, v19;
	v16 =	vld [tilespmem:s22+$0x46B0]  }
0x62: {  	v19 =	vld [tilespmem:s22+$0x86B0]  }
0x63: {  	v24 =	vsub.f32 v17, v24;
	v17 =	vld [tilespmem:s22+$0x4640]  }
0x64: {  	v27 =	vld [tilespmem:s22+$0x8640]  }
0x65: {  	v25 =	vsub.f32 v18, v25;
	v18 =	vld [tilespmem:s22+$0x46C0]  }
0x66: {  	v28 =	vld [tilespmem:s22+$0x86C0]  }
0x67: {  	v29 =	vsub.f32 v16, v19;
	v16 =	vld [tilespmem:s22+$0x4650]  }
0x68: {  	v19 =	vld [tilespmem:s22+$0x8650]  }
0x69: {  	v27 =	vsub.f32 v17, v27;
	v17 =	vld [tilespmem:s22+$0x46D0]  }
0x6a: {  	v30 =	vld [tilespmem:s22+$0x86D0]  }
0x6b: {  	v28 =	vsub.f32 v18, v28;
	v18 =	vld [tilespmem:s22+$0x4660]  }
0x6c: {  	v31 =	vld [tilespmem:s22+$0x8660]  }
0x6d: {  	v32 =	vsub.f32 v16, v19;
	v19 =	vld [tilespmem:s22+$0x46E0]  }
0x6e: {  	v33 =	vld [tilespmem:s22+$0x86E0]  }
0x6f: {  	v16 =	vsub.f32 v17, v30;
	v30 =	vld [tilespmem:s22+$0x4670]  }
0x70: {  	v34 =	vld [tilespmem:s22+$0x8670]  }
0x71: {  	v35 =	vld [tilespmem:s22+$0x600];
	v17 =	vsub.f32 v18, v31  }
0x72: {  	v31 =	vld [tilespmem:s22+$0x680]  }
0x73: {  	v36 =	vld [tilespmem:s22+$0x610];
	v18 =	vsub.f32 v19, v33  }
0x74: {  	v33 =	vld [tilespmem:s22+$0x690]  }
0x75: {  	v37 =	vld [tilespmem:s22+$0x620];
	v19 =	vsub.f32 v30, v34  }
0x76: {  	v20 =	vmul.f32 v20, v35;
	v30 =	vld [tilespmem:s22+$0x6A0]  }
0x77: {  	v21 =	vmul.f32 v21, v31;
	v31 =	vld [tilespmem:s22+$0x630]  }
0x78: {  	v3 =	vadd.f32 v20, v3;
	v20 =	vmul.f32 v23, v36;
	v23 =	vld [tilespmem:s22+$0x6B0]  }
0x79: {  	v4 =	vadd.f32 v21, v4;
	v21 =	vmul.f32 v22, v33;
	v33 =	vld [tilespmem:s22+$0x640]  }
0x7a: {  	v5 =	vadd.f32 v20, v5;
	v20 =	vmul.f32 v26, v37;
	v26 =	vld [tilespmem:s22+$0x6C0]  }
0x7b: {  	v6 =	vadd.f32 v21, v6;
	v21 =	vmul.f32 v24, v30;
	v30 =	vld [tilespmem:s22+$0x650]  }
.Ltmp0:
0x7c: {  	v0 =	vadd.f32 v20, v0;
	v24 =	vmul.f32 v25, v31;
	v20 =	vld [tilespmem:s22+$0x6D0];
	(pc) =	sbr.rel @p0 .LBB2_2-.Ltmp0, $4  }
0x7d: {  	v1 =	vadd.f32 v21, v1;
	v23 =	vmul.f32 v29, v23;
	v22 =	vld [tilespmem:s22+$0x660]  }
0x7e: {  	v7 =	vadd.f32 v24, v7;
	v27 =	vmul.f32 v27, v33;
	v21 =	vld [tilespmem:s22+$0x6E0]  }
0x7f: {  	v2 =	vadd.f32 v23, v2;
	v25 =	vmul.f32 v28, v26;
	v23 =	vld [tilespmem:s22+$0x670];
	s22 =	sshra.s32 s23, $0x2  }
0x80: {  	s23 =	sadd.s32 $0x400, s23;
	v24 =	vld [tilespmem:s22+$0x46F0];
	v8 =	vadd.f32 v27, v8;
	v26 =	vmul.f32 v32, v30  }
0x81: {  	v28 =	vld [tilespmem:s22+$0x4600];
	_ =	sdelay $0x3  }
0x82: {  	v27 =	vld [tilespmem:s22+$0x86F0]  }
0x83: {  	[tilespmem:$0x1FEA0] =	vst v28;
	v28 =	vld [tilespmem:s22+$0x6A0]  }
0x84: {  	v29 =	vld [tilespmem:s22+$0x6F0]  }
0x85: {  	v30 =	vld [tilespmem:s22+$0x8600]  }
0x86: {  	v53 =	vld [tilespmem:s22+$0x4680]  }
0x87: {  	v32 =	vld [tilespmem:s22+$0x8680]  }
0x88: {  	[tilespmem:$0x1FEC0] =	vst v28;
	v28 =	vld [tilespmem:s22+$0x6B0]  }
0x89: {  	v33 =	vld [tilespmem:s22+$0x4610]  }
0x8a: {  	v34 =	vld [tilespmem:s22+$0x8610]  }
0x8b: {  	v35 =	vld [tilespmem:s22+$0x4690]  }
0x8c: {  	v36 =	vld [tilespmem:s22+$0x8690]  }
0x8d: {  	[tilespmem:$0x1FED0] =	vst v28;
	v28 =	vld [tilespmem:s22+$0x640]  }
0x8e: {  	v37 =	vld [tilespmem:s22+$0x4620]  }
0x8f: {  	v38 =	vld [tilespmem:s22+$0x8620]  }
0x90: {  	v39 =	vld [tilespmem:s22+$0x46A0]  }
0x91: {  	v40 =	vld [tilespmem:s22+$0x86A0]  }
0x92: {  	[tilespmem:$0x1FEE0] =	vst v28;
	v28 =	vld [tilespmem:s22+$0x6C0]  }
0x93: {  	v41 =	vld [tilespmem:s22+$0x4630]  }
0x94: {  	v42 =	vld [tilespmem:s22+$0x8630]  }
0x95: {  	v43 =	vld [tilespmem:s22+$0x46B0]  }
0x96: {  	v44 =	vld [tilespmem:s22+$0x86B0]  }
0x97: {  	[tilespmem:$0x1FEF0] =	vst v28;
	v28 =	vld [tilespmem:s22+$0x650]  }
0x98: {  	v45 =	vld [tilespmem:s22+$0x4640]  }
0x99: {  	v46 =	vld [tilespmem:s22+$0x8640]  }
0x9a: {  	v47 =	vld [tilespmem:s22+$0x46C0]  }
0x9b: {  	v48 =	vld [tilespmem:s22+$0x86C0]  }
0x9c: {  	[tilespmem:$0x1FF00] =	vst v28;
	v28 =	vld [tilespmem:s22+$0x6D0]  }
0x9d: {  	v49 =	vld [tilespmem:s22+$0x4650]  }
0x9e: {  	v50 =	vld [tilespmem:s22+$0x8650]  }
0x9f: {  	v51 =	vld [tilespmem:s22+$0x46D0]  }
0xa0: {  	v52 =	vld [tilespmem:s22+$0x86D0]  }
0xa1: {  	[tilespmem:$0x1FF10] =	vst v28;
	v28 =	vld [tilespmem:s22+$0x660]  }
0xa2: {  	v54 =	vld [tilespmem:s22+$0x8660]  }
0xa3: {  	v55 =	vld [tilespmem:s22+$0x46E0]  }
0xa4: {  	v56 =	vld [tilespmem:s22+$0x86E0]  }
0xa5: {  	v57 =	vld [tilespmem:s22+$0x4670]  }
0xa6: {  	[tilespmem:$0x1FF20] =	vst v28;
	v28 =	vld [tilespmem:s22+$0x6E0]  }
0xa7: {  	v58 =	vld [tilespmem:s22+$0x8670]  }
0xa8: {  	v59 =	vld [tilespmem:s22+$0x600]  }
0xa9: {  	v60 =	vld [tilespmem:s22+$0x680]  }
0xaa: {  	v61 =	vld [tilespmem:s22+$0x610]  }
0xab: {  	[tilespmem:$0x1FF30] =	vst v28;
	v28 =	vld [tilespmem:s22+$0x670]  }
0xac: {  	v62 =	vld [tilespmem:s22+$0x690]  }
0xad: {  	v63 =	vld [tilespmem:s22+$0x620]  }
0xae: {  	v31 =	vld [tilespmem:s22+$0x630]  }
0xaf: {  	[tilespmem:$0x1FEB0] =	vst v53;
	v53 =	vld [tilespmem:s22+$0x4660];
	[tilespmem:s12], [sflag:$0x1] =	stream.indirect.gather [hbm4b:s2+s10], $0x80, s16, s10, $0xb8  }
0xb0: {  	v18 =	vmul.f32 v18, v21;
	[tilespmem:$0x1FF60] =	vst v28  }
0xb1: {  	v16 =	vmul.f32 v16, v20;
	v20 =	vsub.f32 v24, v27;
	_ =	swait.ge [sflag:s17], $0xC000  }
0xb2: {  	v18 =	vadd.f32 v18, v12;
	[sflag:s17] =	ssyncset.done $0x0;
	v12 =	vld [tilespmem:$0x1FEA0]  }
0xb3: {  	s23 =	simm.s32 $0x0;
	v11 =	vadd.f32 v16, v11;
	v16 =	vmul.f32 v20, v29;
	v20 =	vld [tilespmem:$0x1FEB0];
	[sflag:s17] =	ssyncadd.s32 $0xFFFF4000  }
0xb4: {  	v28 =	vld [tilespmem:s23+$0x106F0]  }
0xb5: {  	v10 =	vadd.f32 v25, v10;
	v25 =	vld [tilespmem:s23+$0x10620]  }
0xb6: {  	v17 =	vmul.f32 v17, v22;
	v22 =	vld [tilespmem:s23+$0x14620]  }
0xb7: {  	v15 =	vadd.f32 v26, v15;
	v19 =	vmul.f32 v19, v23;
	v21 =	vld [tilespmem:s23+$0x106A0]  }
0xb8: {  	v14 =	vadd.f32 v17, v14;
	v17 =	vld [tilespmem:s23+$0x146A0];
	v12 =	vsub.f32 v12, v30  }
0xb9: {  	v13 =	vadd.f32 v19, v13;
	v19 =	vld [tilespmem:s23+$0x10630];
	v20 =	vsub.f32 v20, v32  }
0xba: {  	v23 =	vsub.f32 v33, v34;
	v26 =	vsub.f32 v35, v36;
	[tilespmem:$0x1FF40] =	vst v28;
	v28 =	vld [tilespmem:s23+$0x146F0];
	v12 =	vmul.f32 v12, v59  }
0xbb: {  	v27 =	vsub.f32 v37, v38;
	v9 =	vadd.f32 v16, v9;
	v16 =	vld [tilespmem:s23+$0x14630];
	v20 =	vmul.f32 v20, v60  }
0xbc: {  	v23 =	vmul.f32 v23, v61;
	v24 =	vld [tilespmem:s23+$0x106B0];
	v3 =	vadd.f32 v12, v3;
	v12 =	vmul.f32 v26, v62  }
0xbd: {  	v29 =	vld [tilespmem:s23+$0x146B0];
	v4 =	vadd.f32 v20, v4  }
0xbe: {  	v20 =	vadd.f32 v23, v5;
	v5 =	vmul.f32 v27, v63;
	v27 =	vadd.f32 v12, v6;
	v6 =	vld [tilespmem:$0x1FEC0]  }
0xbf: {  	[tilespmem:$0x1FF50] =	vst v28;
	v28 =	vld [tilespmem:s23+$0x10600]  }
0xc0: {  	v33 =	vld [tilespmem:s23+$0x10640]  }
0xc1: {  	v36 =	vld [tilespmem:s23+$0x14640];
	v30 =	vsub.f32 v39, v40  }
0xc2: {  	v34 =	vsub.f32 v43, v44;
	v44 =	vld [tilespmem:s23+$0x10650]  }
0xc3: {  	v6 =	vmul.f32 v30, v6;
	v30 =	vadd.f32 v5, v0;
	v0 =	vld [tilespmem:$0x1FED0]  }
0xc4: {  	[tilespmem:$0x1FF80] =	vst v28;
	v28 =	vld [tilespmem:s23+$0xC6F0]  }
0xc5: {  	v5 =	vld [tilespmem:$0x1FEE0]  }
0xc6: {  	v37 =	vsub.f32 v47, v48;
	v48 =	vadd.f32 v6, v1;
	v1 =	vld [tilespmem:$0x1FEF0]  }
0xc7: {  	v38 =	vsub.f32 v49, v50;
	v50 =	vld [tilespmem:s23+$0x14660];
	v32 =	vsub.f32 v41, v42  }
0xc8: {  	v54 =	vsub.f32 v53, v54;
	v53 =	vld [tilespmem:s23+$0x10670]  }
0xc9: {  	v35 =	vsub.f32 v45, v46;
	v12 =	vmul.f32 v32, v31;
	[tilespmem:$0x1FF70] =	vst v28;
	v28 =	vld [tilespmem:s23+$0x14600]  }
0xca: {  	v61 =	vsub.f32 v57, v58;
	v57 =	vld [tilespmem:s23+$0xC690];
	v0 =	vmul.f32 v34, v0  }
0xcb: {  	v49 =	vadd.f32 v12, v7;
	v12 =	vld [tilespmem:$0x1FF50];
	v5 =	vmul.f32 v35, v5;
	v1 =	vmul.f32 v37, v1  }
0xcc: {  	v40 =	vsub.f32 v51, v52;
	v51 =	vadd.f32 v0, v2;
	v0 =	vld [tilespmem:$0x1FF00]  }
0xcd: {  	v52 =	vadd.f32 v5, v8;
	v5 =	vadd.f32 v1, v10;
	v1 =	vld [tilespmem:$0x1FF10]  }
0xce: {  	[tilespmem:$0x1FF90] =	vst v28;
	v28 =	vld [tilespmem:s23+$0x10680]  }
0xcf: {  	v8 =	vld [tilespmem:$0x1FF40]  }
0xd0: {  	v39 =	vld [tilespmem:s23+$0x106C0]  }
0xd1: {  	v42 =	vld [tilespmem:s23+$0x146C0]  }
0xd2: {  	v7 =	vld [tilespmem:$0x1FF30]  }
0xd3: {  	v0 =	vmul.f32 v38, v0;
	v1 =	vmul.f32 v40, v1;
	[tilespmem:$0x1FFA0] =	vst v28;
	v28 =	vld [tilespmem:s23+$0x14680]  }
0xd4: {  	v22 =	vsub.f32 v25, v22;
	v25 =	vld [tilespmem:s23+$0xC620];
	v8 =	vsub.f32 v8, v12  }
0xd5: {  	v12 =	vadd.f32 v0, v15;
	v0 =	vadd.f32 v1, v11;
	v1 =	vld [tilespmem:$0x1FF60]  }
0xd6: {  	v59 =	vsub.f32 v55, v56;
	v26 =	vld [tilespmem:s23+$0x14650]  }
0xd7: {  	v23 =	vld [tilespmem:s23+$0x106D0]  }
0xd8: {  	v7 =	vmul.f32 v59, v7;
	[tilespmem:$0x1FFB0] =	vst v28;
	v28 =	vld [tilespmem:s23+$0x10610]  }
0xd9: {  	v6 =	vld [tilespmem:$0x1FF20]  }
0xda: {  	v11 =	vmul.f32 v61, v1;
	v1 =	vadd.f32 v7, v18;
	v7 =	vld [tilespmem:$0x1FF70]  }
0xdb: {  	v62 =	vld [tilespmem:s23+$0x146D0]  }
0xdc: {  	v63 =	vld [tilespmem:s23+$0x10660]  }
0xdd: {  	[tilespmem:$0x1FFC0] =	vst v28;
	v28 =	vld [tilespmem:s23+$0x14610]  }
0xde: {  	v2 =	vld [tilespmem:s23+$0x106E0]  }
0xdf: {  	v6 =	vmul.f32 v54, v6;
	v54 =	vld [tilespmem:s23+$0xC610];
	v8 =	vmul.f32 v8, v7  }
0xe0: {  	v18 =	vld [tilespmem:$0x1FFB0]  }
0xe1: {  	v8 =	vadd.f32 v8, v9;
	v9 =	vld [tilespmem:$0x1FFA0]  }
0xe2: {  	[tilespmem:$0x1FFD0] =	vst v28;
	v28 =	vld [tilespmem:s23+$0x10690]  }
0xe3: {  	v7 =	vadd.f32 v11, v13;
	v11 =	vld [tilespmem:$0x1FF80]  }
0xe4: {  	v13 =	vld [tilespmem:$0x1FF90]  }
0xe5: {  	v55 =	vld [tilespmem:$0x1FFD0]  }
0xe6: {  	v9 =	vsub.f32 v9, v18;
	v18 =	vld [tilespmem:$0x1FFC0]  }
0xe7: {  	[tilespmem:$0x1FFE0] =	vst v28;
	v28 =	vld [tilespmem:s23+$0x14690]  }
0xe8: {  	v10 =	vld [tilespmem:s23+$0x146E0]  }
0xe9: {  	v6 =	vadd.f32 v6, v14;
	v14 =	vld [tilespmem:s23+$0xC600]  }
0xea: {  	v15 =	vld [tilespmem:s23+$0x14670]  }
0xeb: {  	v11 =	vsub.f32 v11, v13;
	v13 =	vld [tilespmem:s23+$0xC680]  }
0xec: {  	v41 =	vsub.f32 v18, v55;
	v18 =	vld [tilespmem:$0x1FFE0];
	[tilespmem:$0x1FFF0] =	vst v28  }
0xed: {  	v21 =	vsub.f32 v21, v17;
	v58 =	vsub.f32 v19, v16;
	v56 =	vld [tilespmem:$0x1FFF0]  }
0xee: {  	v24 =	vsub.f32 v24, v29;
	v16 =	vsub.f32 v23, v62;
	v23 =	vld [tilespmem:s23+$0xC6B0]  }
0xef: {  	v33 =	vsub.f32 v33, v36;
	v60 =	vsub.f32 v39, v42;
	v59 =	vld [tilespmem:s23+$0xC6A0]  }
0xf0: {  	v26 =	vsub.f32 v44, v26;
	v17 =	vsub.f32 v63, v50;
	v61 =	vld [tilespmem:s23+$0xC630]  }
0xf1: {  	v62 =	vld [tilespmem:s23+$0xC640];
	v19 =	vsub.f32 v53, v15;
	v11 =	vmul.f32 v11, v14;
	v13 =	vmul.f32 v9, v13  }
0xf2: {  	v15 =	vld [tilespmem:s23+$0xC6C0];
	v43 =	vsub.f32 v18, v56;
	v18 =	vsub.f32 v2, v10;
	v10 =	vmul.f32 v41, v54  }
0xf3: {  	v63 =	vld [tilespmem:s23+$0xC650];
	v23 =	vmul.f32 v24, v23;
	v2 =	vadd.f32 v13, v4;
	v4 =	vmul.f32 v22, v25  }
0xf4: {  	v9 =	vadd.f32 v11, v3;
	v3 =	vmul.f32 v43, v57;
	v10 =	vadd.f32 v10, v20;
	v20 =	vld [tilespmem:s23+$0xC6D0]  }
0xf5: {  	v11 =	vmul.f32 v21, v59;
	v21 =	vld [tilespmem:s23+$0xC660];
	v25 =	vmul.f32 v58, v61;
	v14 =	vadd.f32 v4, v30  }
0xf6: {  	v22 =	vld [tilespmem:s23+$0xC6E0];
	v4 =	vadd.f32 v23, v51;
	v13 =	vadd.f32 v3, v27;
	v27 =	vmul.f32 v33, v62  }
0xf7: {  	s22 =	simm.s32 $0x100;
	v23 =	vld [tilespmem:s23+$0xC670];
	v3 =	vadd.f32 v11, v48;
	v11 =	vadd.f32 v25, v49;
	v25 =	vmul.f32 v60, v15  }
0xf8: {  	v24 =	vld [tilespmem:s22+$0x106F0];
	v26 =	vmul.f32 v26, v63;
	s23 =	simm.s32 $0x800;
	v15 =	vadd.f32 v27, v52  }
.LBB2_4:
0xf9: {  	p0 =	sne.s32 s23, $0xFC00;
	v27 =	vld [tilespmem:s22+$0x146F0];
	v5 =	vadd.f32 v25, v5;
	v16 =	vmul.f32 v16, v20  }
0xfa: {  	v20 =	vld [tilespmem:s22+$0x10600];
	v12 =	vadd.f32 v26, v12;
	v17 =	vmul.f32 v17, v21  }
0xfb: {  	v21 =	vld [tilespmem:s22+$0xC6F0];
	v0 =	vadd.f32 v16, v0;
	v16 =	vmul.f32 v18, v22  }
0xfc: {  	v18 =	vld [tilespmem:s22+$0x14600];
	v6 =	vadd.f32 v17, v6;
	v17 =	vmul.f32 v19, v23  }
0xfd: {  	v19 =	vld [tilespmem:s22+$0x10680];
	v1 =	vadd.f32 v16, v1  }
0xfe: {  	v16 =	vld [tilespmem:s22+$0x14680];
	v22 =	vsub.f32 v24, v27;
	v7 =	vadd.f32 v17, v7  }
0xff: {  	v17 =	vld [tilespmem:s22+$0x10610]  }
0x100: {  	v23 =	vld [tilespmem:s22+$0x14610];
	v21 =	vmul.f32 v22, v21  }
0x101: {  	v20 =	vsub.f32 v20, v18;
	v18 =	vld [tilespmem:s22+$0x10690]  }
0x102: {  	v22 =	vld [tilespmem:s22+$0x14690];
	v8 =	vadd.f32 v21, v8  }
0x103: {  	v21 =	vsub.f32 v19, v16;
	v16 =	vld [tilespmem:s22+$0x10620]  }
0x104: {  	v19 =	vld [tilespmem:s22+$0x14620]  }
0x105: {  	v23 =	vsub.f32 v17, v23;
	v17 =	vld [tilespmem:s22+$0x106A0]  }
0x106: {  	v24 =	vld [tilespmem:s22+$0x146A0]  }
0x107: {  	v22 =	vsub.f32 v18, v22;
	v18 =	vld [tilespmem:s22+$0x10630]  }
0x108: {  	v25 =	vld [tilespmem:s22+$0x14630]  }
0x109: {  	v26 =	vsub.f32 v16, v19;
	v16 =	vld [tilespmem:s22+$0x106B0]  }
0x10a: {  	v19 =	vld [tilespmem:s22+$0x146B0]  }
0x10b: {  	v24 =	vsub.f32 v17, v24;
	v17 =	vld [tilespmem:s22+$0x10640]  }
0x10c: {  	v27 =	vld [tilespmem:s22+$0x14640]  }
0x10d: {  	v25 =	vsub.f32 v18, v25;
	v18 =	vld [tilespmem:s22+$0x106C0]  }
0x10e: {  	v28 =	vld [tilespmem:s22+$0x146C0]  }
0x10f: {  	v29 =	vsub.f32 v16, v19;
	v16 =	vld [tilespmem:s22+$0x10650]  }
0x110: {  	v19 =	vld [tilespmem:s22+$0x14650]  }
0x111: {  	v27 =	vsub.f32 v17, v27;
	v17 =	vld [tilespmem:s22+$0x106D0]  }
0x112: {  	v30 =	vld [tilespmem:s22+$0x146D0]  }
0x113: {  	v28 =	vsub.f32 v18, v28;
	v18 =	vld [tilespmem:s22+$0x10660]  }
0x114: {  	v31 =	vld [tilespmem:s22+$0x14660]  }
0x115: {  	v32 =	vsub.f32 v16, v19;
	v19 =	vld [tilespmem:s22+$0x106E0]  }
0x116: {  	v33 =	vld [tilespmem:s22+$0x146E0]  }
0x117: {  	v16 =	vsub.f32 v17, v30;
	v30 =	vld [tilespmem:s22+$0x10670]  }
0x118: {  	v34 =	vld [tilespmem:s22+$0x14670]  }
0x119: {  	v35 =	vld [tilespmem:s22+$0xC600];
	v17 =	vsub.f32 v18, v31  }
0x11a: {  	v31 =	vld [tilespmem:s22+$0xC680]  }
0x11b: {  	v36 =	vld [tilespmem:s22+$0xC610];
	v18 =	vsub.f32 v19, v33  }
0x11c: {  	v33 =	vld [tilespmem:s22+$0xC690]  }
0x11d: {  	v37 =	vld [tilespmem:s22+$0xC620];
	v19 =	vsub.f32 v30, v34  }
0x11e: {  	v20 =	vmul.f32 v20, v35;
	v30 =	vld [tilespmem:s22+$0xC6A0]  }
0x11f: {  	v21 =	vmul.f32 v21, v31;
	v31 =	vld [tilespmem:s22+$0xC630]  }
0x120: {  	v9 =	vadd.f32 v20, v9;
	v20 =	vmul.f32 v23, v36;
	v23 =	vld [tilespmem:s22+$0xC6B0]  }
0x121: {  	v2 =	vadd.f32 v21, v2;
	v21 =	vmul.f32 v22, v33;
	v22 =	vld [tilespmem:s22+$0xC640]  }
0x122: {  	v10 =	vadd.f32 v20, v10;
	v20 =	vmul.f32 v26, v37;
	v26 =	vld [tilespmem:s22+$0xC6C0]  }
0x123: {  	v13 =	vadd.f32 v21, v13;
	v21 =	vmul.f32 v24, v30;
	v30 =	vld [tilespmem:s22+$0xC650]  }
.Ltmp1:
0x124: {  	v14 =	vadd.f32 v20, v14;
	v24 =	vmul.f32 v25, v31;
	v20 =	vld [tilespmem:s22+$0xC6D0];
	(pc) =	sbr.rel @p0 .LBB2_4-.Ltmp1, $4  }
0x125: {  	v3 =	vadd.f32 v21, v3;
	v23 =	vmul.f32 v29, v23;
	v21 =	vld [tilespmem:s22+$0xC660]  }
0x126: {  	v11 =	vadd.f32 v24, v11;
	v27 =	vmul.f32 v27, v22;
	v22 =	vld [tilespmem:s22+$0xC6E0]  }
0x127: {  	v4 =	vadd.f32 v23, v4;
	v25 =	vmul.f32 v28, v26;
	v23 =	vld [tilespmem:s22+$0xC670];
	s22 =	sshra.s32 s23, $0x2  }
0x128: {  	s23 =	sadd.s32 $0x400, s23;
	v24 =	vld [tilespmem:s22+$0x106F0];
	v15 =	vadd.f32 v27, v15;
	v26 =	vmul.f32 v32, v30  }
0x129: {  	v28 =	vld [tilespmem:s22+$0x10600];
	_ =	sdelay $0x3  }
0x12a: {  	v27 =	vld [tilespmem:s22+$0x146F0]  }
0x12b: {  	[tilespmem:$0x1FD40] =	vst v28;
	v28 =	vld [tilespmem:s22+$0xC6A0]  }
0x12c: {  	v29 =	vld [tilespmem:s22+$0xC6F0]  }
0x12d: {  	v30 =	vld [tilespmem:s22+$0x14600]  }
0x12e: {  	v63 =	vld [tilespmem:s22+$0x10680]  }
0x12f: {  	v32 =	vld [tilespmem:s22+$0x14680]  }
0x130: {  	[tilespmem:$0x1FD60] =	vst v28;
	v28 =	vld [tilespmem:s22+$0xC6B0]  }
0x131: {  	v33 =	vld [tilespmem:s22+$0x10610]  }
0x132: {  	v34 =	vld [tilespmem:s22+$0x14610]  }
0x133: {  	v35 =	vld [tilespmem:s22+$0x10690]  }
0x134: {  	v36 =	vld [tilespmem:s22+$0x14690]  }
0x135: {  	[tilespmem:$0x1FD70] =	vst v28;
	v28 =	vld [tilespmem:s22+$0xC640]  }
0x136: {  	v37 =	vld [tilespmem:s22+$0x10620]  }
0x137: {  	v38 =	vld [tilespmem:s22+$0x14620]  }
0x138: {  	v39 =	vld [tilespmem:s22+$0x106A0]  }
0x139: {  	v40 =	vld [tilespmem:s22+$0x146A0]  }
0x13a: {  	[tilespmem:$0x1FD80] =	vst v28;
	v28 =	vld [tilespmem:s22+$0xC6C0]  }
0x13b: {  	v41 =	vld [tilespmem:s22+$0x10630]  }
0x13c: {  	v42 =	vld [tilespmem:s22+$0x14630]  }
0x13d: {  	v43 =	vld [tilespmem:s22+$0x106B0]  }
0x13e: {  	v44 =	vld [tilespmem:s22+$0x146B0]  }
0x13f: {  	[tilespmem:$0x1FD90] =	vst v28;
	v28 =	vld [tilespmem:s22+$0xC650]  }
0x140: {  	v45 =	vld [tilespmem:s22+$0x10640]  }
0x141: {  	v46 =	vld [tilespmem:s22+$0x14640]  }
0x142: {  	v47 =	vld [tilespmem:s22+$0x106C0]  }
0x143: {  	v48 =	vld [tilespmem:s22+$0x146C0]  }
0x144: {  	[tilespmem:$0x1FDA0] =	vst v28;
	v28 =	vld [tilespmem:s22+$0xC6D0]  }
0x145: {  	v49 =	vld [tilespmem:s22+$0x10650]  }
0x146: {  	v50 =	vld [tilespmem:s22+$0x14650]  }
0x147: {  	v51 =	vld [tilespmem:s22+$0x106D0]  }
0x148: {  	v52 =	vld [tilespmem:s22+$0x146D0]  }
0x149: {  	[tilespmem:$0x1FDB0] =	vst v28;
	v28 =	vld [tilespmem:s22+$0xC660]  }
0x14a: {  	v53 =	vld [tilespmem:s22+$0x10660]  }
0x14b: {  	v54 =	vld [tilespmem:s22+$0x14660]  }
0x14c: {  	v55 =	vld [tilespmem:s22+$0x106E0]  }
0x14d: {  	v56 =	vld [tilespmem:s22+$0x146E0]  }
0x14e: {  	[tilespmem:$0x1FDC0] =	vst v28;
	v28 =	vld [tilespmem:s22+$0xC6E0]  }
0x14f: {  	v57 =	vld [tilespmem:s22+$0x10670]  }
0x150: {  	v58 =	vld [tilespmem:s22+$0x14670]  }
0x151: {  	v59 =	vld [tilespmem:s22+$0xC600]  }
0x152: {  	v60 =	vld [tilespmem:s22+$0xC680]  }
0x153: {  	[tilespmem:$0x1FDD0] =	vst v28;
	v28 =	vld [tilespmem:s22+$0xC670]  }
0x154: {  	v61 =	vld [tilespmem:s22+$0xC610]  }
0x155: {  	v62 =	vld [tilespmem:s22+$0xC690]  }
0x156: {  	v31 =	vld [tilespmem:s22+$0xC630]  }
0x157: {  	[tilespmem:$0x1FD50] =	vst v63;
	v63 =	vld [tilespmem:s22+$0xC620];
	[tilespmem:s14], [sflag:$0x2] =	stream.indirect.gather [hbm4b:s2+s10], $0x80, s18, s10, $0xb8  }
0x158: {  	[tilespmem:$0x1FE00] =	vst v28  }
0x159: {  	_ =	swait.ge [sflag:s15], $0xC000  }
0x15a: {  	[sflag:s15] =	ssyncset.done $0x0  }
0x15b: {  	s23 =	simm.s32 $0x0;
	v19 =	vmul.f32 v19, v23;
	[sflag:s15] =	ssyncadd.s32 $0xFFFF4000  }
0x15c: {  	v16 =	vmul.f32 v16, v20;
	v20 =	vsub.f32 v24, v27;
	v28 =	vld [tilespmem:s23+$0x46F0]  }
0x15d: {  	v7 =	vadd.f32 v19, v7;
	v19 =	vld [tilespmem:$0x1FD40]  }
0x15e: {  	v0 =	vadd.f32 v16, v0;
	v49 =	vsub.f32 v49, v50;
	v16 =	vmul.f32 v20, v29;
	v20 =	vld [tilespmem:$0x1FD50]  }
0x15f: {  	v50 =	vsub.f32 v51, v52;
	v51 =	vsub.f32 v53, v54;
	v54 =	vld [tilespmem:$0x1FD80]  }
0x160: {  	v52 =	vsub.f32 v55, v56;
	v55 =	vld [tilespmem:$0x1FDA0]  }
0x161: {  	[tilespmem:$0x1FDE0] =	vst v28;
	v28 =	vld [tilespmem:s23+$0x86F0]  }
0x162: {  	v56 =	vld [tilespmem:$0x1FDC0]  }
0x163: {  	v53 =	vsub.f32 v57, v58;
	v57 =	vld [tilespmem:$0x1FDD0]  }
0x164: {  	v5 =	vadd.f32 v25, v5;
	v25 =	vld [tilespmem:s23+$0x4620]  }
0x165: {  	v17 =	vmul.f32 v17, v21;
	v21 =	vld [tilespmem:s23+$0x8620]  }
0x166: {  	[tilespmem:$0x1FDF0] =	vst v28;
	v28 =	vld [tilespmem:s23+$0x4600]  }
0x167: {  	v18 =	vmul.f32 v18, v22;
	v22 =	vld [tilespmem:s23+$0x46A0]  }
0x168: {  	v6 =	vadd.f32 v17, v6;
	v17 =	vld [tilespmem:s23+$0x86A0]  }
0x169: {  	v1 =	vadd.f32 v18, v1;
	v18 =	vld [tilespmem:s23+$0x4630]  }
0x16a: {  	v8 =	vadd.f32 v16, v8;
	v16 =	vld [tilespmem:s23+$0x8630]  }
0x16b: {  	[tilespmem:$0x1FE20] =	vst v28;
	v28 =	vld [tilespmem:s23+$0x6F0]  }
0x16c: {  	v24 =	vld [tilespmem:s23+$0x46B0];
	v19 =	vsub.f32 v19, v30  }
0x16d: {  	v12 =	vadd.f32 v26, v12;
	v29 =	vld [tilespmem:s23+$0x86B0]  }
0x16e: {  	v23 =	vsub.f32 v33, v34;
	v26 =	vsub.f32 v35, v36;
	v33 =	vld [tilespmem:s23+$0x4640];
	v19 =	vmul.f32 v19, v59  }
0x16f: {  	v36 =	vld [tilespmem:s23+$0x8640]  }
0x170: {  	v9 =	vadd.f32 v19, v9;
	v19 =	vmul.f32 v26, v62;
	[tilespmem:$0x1FE10] =	vst v28;
	v28 =	vld [tilespmem:s23+$0x8600]  }
0x171: {  	v34 =	vsub.f32 v43, v44;
	v23 =	vmul.f32 v23, v61;
	v44 =	vld [tilespmem:s23+$0x4650]  }
0x172: {  	v13 =	vadd.f32 v19, v13;
	v19 =	vld [tilespmem:$0x1FD60]  }
0x173: {  	v10 =	vadd.f32 v23, v10;
	v23 =	vld [tilespmem:s23+$0x46D0]  }
0x174: {  	v27 =	vsub.f32 v37, v38;
	v38 =	vld [tilespmem:s23+$0x4670]  }
0x175: {  	v30 =	vsub.f32 v39, v40;
	[tilespmem:$0x1FE30] =	vst v28;
	v28 =	vld [tilespmem:s23+$0x4680]  }
0x176: {  	v61 =	vld [tilespmem:s23+$0x600]  }
0x177: {  	v39 =	vld [tilespmem:s23+$0x46C0];
	v19 =	vmul.f32 v30, v19  }
0x178: {  	v20 =	vsub.f32 v20, v32;
	v32 =	vld [tilespmem:s23+$0x86E0]  }
0x179: {  	v3 =	vadd.f32 v19, v3;
	v19 =	vld [tilespmem:$0x1FD90]  }
0x17a: {  	v20 =	vmul.f32 v20, v60;
	[tilespmem:$0x1FE40] =	vst v28;
	v28 =	vld [tilespmem:s23+$0x8680]  }
0x17b: {  	v21 =	vsub.f32 v25, v21;
	v25 =	vld [tilespmem:s23+$0x620]  }
0x17c: {  	v58 =	vld [tilespmem:$0x1FDE0];
	v2 =	vadd.f32 v20, v2;
	v20 =	vmul.f32 v27, v63  }
0x17d: {  	v48 =	vsub.f32 v47, v48;
	v26 =	vld [tilespmem:s23+$0x8650]  }
0x17e: {  	v14 =	vadd.f32 v20, v14;
	v20 =	vld [tilespmem:$0x1FD70]  }
0x17f: {  	v19 =	vmul.f32 v48, v19;
	[tilespmem:$0x1FE50] =	vst v28;
	v28 =	vld [tilespmem:s23+$0x4610]  }
0x180: {  	v63 =	vld [tilespmem:s23+$0x680]  }
0x181: {  	v35 =	vsub.f32 v45, v46;
	v5 =	vadd.f32 v19, v5;
	v19 =	vld [tilespmem:$0x1FDB0]  }
0x182: {  	v59 =	vld [tilespmem:$0x1FDF0]  }
0x183: {  	v30 =	vmul.f32 v35, v54;
	v54 =	vld [tilespmem:s23+$0x690]  }
0x184: {  	v20 =	vmul.f32 v34, v20;
	[tilespmem:$0x1FE60] =	vst v28;
	v28 =	vld [tilespmem:s23+$0x8610]  }
0x185: {  	v34 =	vmul.f32 v51, v56;
	v56 =	vld [tilespmem:s23+$0x6A0]  }
0x186: {  	v4 =	vadd.f32 v20, v4;
	v20 =	vld [tilespmem:s23+$0x46E0];
	v19 =	vmul.f32 v50, v19  }
0x187: {  	v15 =	vadd.f32 v30, v15;
	v30 =	vmul.f32 v49, v55;
	v49 =	vld [tilespmem:s23+$0x610]  }
0x188: {  	v0 =	vadd.f32 v19, v0;
	v19 =	vld [tilespmem:$0x1FE00]  }
0x189: {  	[tilespmem:$0x1FE70] =	vst v28;
	v28 =	vld [tilespmem:s23+$0x4690]  }
0x18a: {  	v37 =	vsub.f32 v58, v59;
	v58 =	vld [tilespmem:s23+$0x630]  }
0x18b: {  	v60 =	vld [tilespmem:$0x1FE10]  }
0x18c: {  	v62 =	vld [tilespmem:$0x1FE30]  }
0x18d: {  	v47 =	vld [tilespmem:$0x1FE40]  }
0x18e: {  	v19 =	vmul.f32 v53, v19;
	[tilespmem:$0x1FE80] =	vst v28;
	v28 =	vld [tilespmem:s23+$0x8690]  }
0x18f: {  	v48 =	vld [tilespmem:$0x1FE50]  }
0x190: {  	v7 =	vadd.f32 v19, v7;
	v19 =	vld [tilespmem:$0x1FE20]  }
0x191: {  	v50 =	vld [tilespmem:$0x1FE60]  }
0x192: {  	v51 =	vld [tilespmem:$0x1FE70]  }
0x193: {  	v35 =	vmul.f32 v52, v57;
	v52 =	vld [tilespmem:$0x1FE80];
	[tilespmem:$0x1FE90] =	vst v28;
	v28 =	vsub.f32 v41, v42  }
0x194: {  	v22 =	vsub.f32 v22, v17;
	v25 =	vmul.f32 v21, v25;
	v53 =	vld [tilespmem:$0x1FE90]  }
0x195: {  	v24 =	vsub.f32 v24, v29;
	v33 =	vsub.f32 v33, v36;
	v27 =	vmul.f32 v28, v31;
	v28 =	vld [tilespmem:s23+$0x86D0]  }
0x196: {  	v26 =	vsub.f32 v44, v26;
	v14 =	vadd.f32 v25, v14;
	v31 =	vld [tilespmem:s23+$0x4660]  }
0x197: {  	v6 =	vadd.f32 v34, v6;
	v11 =	vadd.f32 v27, v11;
	v27 =	vld [tilespmem:s23+$0x8660]  }
0x198: {  	v55 =	vsub.f32 v18, v16;
	v12 =	vadd.f32 v30, v12;
	v34 =	vmul.f32 v37, v60;
	v60 =	vld [tilespmem:s23+$0x640]  }
0x199: {  	v18 =	vsub.f32 v20, v32;
	v42 =	vld [tilespmem:s23+$0x86C0];
	v41 =	vsub.f32 v50, v51  }
0x19a: {  	v22 =	vmul.f32 v22, v56;
	v19 =	vsub.f32 v19, v62;
	v16 =	vsub.f32 v23, v28;
	v23 =	vld [tilespmem:s23+$0x6B0]  }
0x19b: {  	v30 =	vld [tilespmem:s23+$0x8670];
	v8 =	vadd.f32 v34, v8;
	v34 =	vsub.f32 v47, v48;
	v20 =	vmul.f32 v41, v49  }
0x19c: {  	v43 =	vsub.f32 v52, v53;
	v17 =	vsub.f32 v31, v27;
	v27 =	vmul.f32 v19, v61;
	v61 =	vld [tilespmem:s23+$0x6C0]  }
0x19d: {  	v1 =	vadd.f32 v35, v1;
	v3 =	vadd.f32 v22, v3;
	v62 =	vld [tilespmem:s23+$0x650];
	v59 =	vmul.f32 v34, v63  }
0x19e: {  	v10 =	vadd.f32 v20, v10;
	v20 =	vld [tilespmem:s23+$0x6D0];
	v9 =	vadd.f32 v27, v9;
	v27 =	vmul.f32 v43, v54  }
0x19f: {  	v21 =	vld [tilespmem:s23+$0x660];
	v63 =	vmul.f32 v33, v60;
	v57 =	vsub.f32 v39, v42;
	v23 =	vmul.f32 v24, v23  }
0x1a0: {  	v22 =	vld [tilespmem:s23+$0x6E0];
	v2 =	vadd.f32 v59, v2;
	v13 =	vadd.f32 v27, v13;
	v27 =	vmul.f32 v55, v58  }
0x1a1: {  	s22 =	simm.s32 $0x100;
	v15 =	vadd.f32 v63, v15;
	v4 =	vadd.f32 v23, v4;
	v23 =	vld [tilespmem:s23+$0x670];
	v25 =	vmul.f32 v57, v61  }
0x1a2: {  	v26 =	vmul.f32 v26, v62;
	v19 =	vsub.f32 v38, v30;
	v24 =	vld [tilespmem:s22+$0x46F0];
	s23 =	simm.s32 $0x800;
	v11 =	vadd.f32 v27, v11  }
.LBB2_6:
0x1a3: {  	p0 =	sne.s32 s23, $0xFC00;
	v27 =	vld [tilespmem:s22+$0x86F0];
	v5 =	vadd.f32 v25, v5;
	v16 =	vmul.f32 v16, v20  }
0x1a4: {  	v20 =	vld [tilespmem:s22+$0x4600];
	v12 =	vadd.f32 v26, v12;
	v17 =	vmul.f32 v17, v21  }
0x1a5: {  	v21 =	vld [tilespmem:s22+$0x6F0];
	v0 =	vadd.f32 v16, v0;
	v16 =	vmul.f32 v18, v22  }
0x1a6: {  	v18 =	vld [tilespmem:s22+$0x8600];
	v6 =	vadd.f32 v17, v6;
	v17 =	vmul.f32 v19, v23  }
0x1a7: {  	v19 =	vld [tilespmem:s22+$0x4680];
	v1 =	vadd.f32 v16, v1  }
0x1a8: {  	v16 =	vld [tilespmem:s22+$0x8680];
	v22 =	vsub.f32 v24, v27;
	v7 =	vadd.f32 v17, v7  }
0x1a9: {  	v17 =	vld [tilespmem:s22+$0x4610]  }
0x1aa: {  	v23 =	vld [tilespmem:s22+$0x8610];
	v21 =	vmul.f32 v22, v21  }
0x1ab: {  	v20 =	vsub.f32 v20, v18;
	v18 =	vld [tilespmem:s22+$0x4690]  }
0x1ac: {  	v22 =	vld [tilespmem:s22+$0x8690];
	v8 =	vadd.f32 v21, v8  }
0x1ad: {  	v21 =	vsub.f32 v19, v16;
	v16 =	vld [tilespmem:s22+$0x4620]  }
0x1ae: {  	v19 =	vld [tilespmem:s22+$0x8620]  }
0x1af: {  	v23 =	vsub.f32 v17, v23;
	v17 =	vld [tilespmem:s22+$0x46A0]  }
0x1b0: {  	v24 =	vld [tilespmem:s22+$0x86A0]  }
0x1b1: {  	v22 =	vsub.f32 v18, v22;
	v18 =	vld [tilespmem:s22+$0x4630]  }
0x1b2: {  	v25 =	vld [tilespmem:s22+$0x8630]  }
0x1b3: {  	v26 =	vsub.f32 v16, v19;
	v16 =	vld [tilespmem:s22+$0x46B0]  }
0x1b4: {  	v19 =	vld [tilespmem:s22+$0x86B0]  }
0x1b5: {  	v24 =	vsub.f32 v17, v24;
	v17 =	vld [tilespmem:s22+$0x4640]  }
0x1b6: {  	v27 =	vld [tilespmem:s22+$0x8640]  }
0x1b7: {  	v25 =	vsub.f32 v18, v25;
	v18 =	vld [tilespmem:s22+$0x46C0]  }
0x1b8: {  	v28 =	vld [tilespmem:s22+$0x86C0]  }
0x1b9: {  	v29 =	vsub.f32 v16, v19;
	v16 =	vld [tilespmem:s22+$0x4650]  }
0x1ba: {  	v19 =	vld [tilespmem:s22+$0x8650]  }
0x1bb: {  	v27 =	vsub.f32 v17, v27;
	v17 =	vld [tilespmem:s22+$0x46D0]  }
0x1bc: {  	v30 =	vld [tilespmem:s22+$0x86D0]  }
0x1bd: {  	v28 =	vsub.f32 v18, v28;
	v18 =	vld [tilespmem:s22+$0x4660]  }
0x1be: {  	v31 =	vld [tilespmem:s22+$0x8660]  }
0x1bf: {  	v32 =	vsub.f32 v16, v19;
	v19 =	vld [tilespmem:s22+$0x46E0]  }
0x1c0: {  	v33 =	vld [tilespmem:s22+$0x86E0]  }
0x1c1: {  	v16 =	vsub.f32 v17, v30;
	v30 =	vld [tilespmem:s22+$0x4670]  }
0x1c2: {  	v34 =	vld [tilespmem:s22+$0x8670]  }
0x1c3: {  	v35 =	vld [tilespmem:s22+$0x600];
	v17 =	vsub.f32 v18, v31  }
0x1c4: {  	v31 =	vld [tilespmem:s22+$0x680]  }
0x1c5: {  	v36 =	vld [tilespmem:s22+$0x610];
	v18 =	vsub.f32 v19, v33  }
0x1c6: {  	v33 =	vld [tilespmem:s22+$0x690]  }
0x1c7: {  	v37 =	vld [tilespmem:s22+$0x620];
	v19 =	vsub.f32 v30, v34  }
0x1c8: {  	v20 =	vmul.f32 v20, v35;
	v30 =	vld [tilespmem:s22+$0x6A0]  }
0x1c9: {  	v21 =	vmul.f32 v21, v31;
	v31 =	vld [tilespmem:s22+$0x630]  }
0x1ca: {  	v9 =	vadd.f32 v20, v9;
	v20 =	vmul.f32 v23, v36;
	v23 =	vld [tilespmem:s22+$0x6B0]  }
0x1cb: {  	v2 =	vadd.f32 v21, v2;
	v21 =	vmul.f32 v22, v33;
	v22 =	vld [tilespmem:s22+$0x640]  }
0x1cc: {  	v10 =	vadd.f32 v20, v10;
	v20 =	vmul.f32 v26, v37;
	v26 =	vld [tilespmem:s22+$0x6C0]  }
0x1cd: {  	v13 =	vadd.f32 v21, v13;
	v21 =	vmul.f32 v24, v30;
	v30 =	vld [tilespmem:s22+$0x650]  }
.Ltmp2:
0x1ce: {  	v14 =	vadd.f32 v20, v14;
	v24 =	vmul.f32 v25, v31;
	v20 =	vld [tilespmem:s22+$0x6D0];
	(pc) =	sbr.rel @p0 .LBB2_6-.Ltmp2, $4  }
0x1cf: {  	v3 =	vadd.f32 v21, v3;
	v23 =	vmul.f32 v29, v23;
	v21 =	vld [tilespmem:s22+$0x660]  }
0x1d0: {  	v11 =	vadd.f32 v24, v11;
	v27 =	vmul.f32 v27, v22;
	v22 =	vld [tilespmem:s22+$0x6E0]  }
0x1d1: {  	v4 =	vadd.f32 v23, v4;
	v25 =	vmul.f32 v28, v26;
	v23 =	vld [tilespmem:s22+$0x670];
	s22 =	sshra.s32 s23, $0x2  }
0x1d2: {  	s23 =	sadd.s32 $0x400, s23;
	v24 =	vld [tilespmem:s22+$0x46F0];
	v15 =	vadd.f32 v27, v15;
	v26 =	vmul.f32 v32, v30  }
0x1d3: {  	v28 =	vld [tilespmem:s22+$0x4600];
	_ =	sdelay $0x4  }
0x1d4: {  	[tilespmem:$0x1FBE0] =	vst v28;
	v28 =	vld [tilespmem:s22+$0x6A0];
	_ =	sdelay $0x1  }
0x1d5: {  	v27 =	vld [tilespmem:s22+$0x86F0]  }
0x1d6: {  	v29 =	vld [tilespmem:s22+$0x6F0]  }
0x1d7: {  	v30 =	vld [tilespmem:s22+$0x8600]  }
0x1d8: {  	[tilespmem:$0x1FC00] =	vst v28;
	v28 =	vld [tilespmem:s22+$0x6B0]  }
0x1d9: {  	v63 =	vld [tilespmem:s22+$0x4680]  }
0x1da: {  	v32 =	vld [tilespmem:s22+$0x8680]  }
0x1db: {  	v33 =	vld [tilespmem:s22+$0x4610]  }
0x1dc: {  	v34 =	vld [tilespmem:s22+$0x8610]  }
0x1dd: {  	[tilespmem:$0x1FC10] =	vst v28;
	v28 =	vld [tilespmem:s22+$0x640]  }
0x1de: {  	v35 =	vld [tilespmem:s22+$0x4690]  }
0x1df: {  	v36 =	vld [tilespmem:s22+$0x8690]  }
0x1e0: {  	v37 =	vld [tilespmem:s22+$0x4620]  }
0x1e1: {  	v38 =	vld [tilespmem:s22+$0x8620]  }
0x1e2: {  	[tilespmem:$0x1FC20] =	vst v28;
	v28 =	vld [tilespmem:s22+$0x6C0]  }
0x1e3: {  	v39 =	vld [tilespmem:s22+$0x46A0]  }
0x1e4: {  	v40 =	vld [tilespmem:s22+$0x86A0]  }
0x1e5: {  	v41 =	vld [tilespmem:s22+$0x4630]  }
0x1e6: {  	v42 =	vld [tilespmem:s22+$0x8630]  }
0x1e7: {  	[tilespmem:$0x1FC30] =	vst v28;
	v28 =	vld [tilespmem:s22+$0x650]  }
0x1e8: {  	v43 =	vld [tilespmem:s22+$0x46B0]  }
0x1e9: {  	v44 =	vld [tilespmem:s22+$0x86B0]  }
0x1ea: {  	v45 =	vld [tilespmem:s22+$0x4640]  }
0x1eb: {  	v46 =	vld [tilespmem:s22+$0x8640]  }
0x1ec: {  	[tilespmem:$0x1FC40] =	vst v28;
	v28 =	vld [tilespmem:s22+$0x6D0]  }
0x1ed: {  	v47 =	vld [tilespmem:s22+$0x46C0]  }
0x1ee: {  	v48 =	vld [tilespmem:s22+$0x86C0]  }
0x1ef: {  	v49 =	vld [tilespmem:s22+$0x4650]  }
0x1f0: {  	v50 =	vld [tilespmem:s22+$0x8650]  }
0x1f1: {  	[tilespmem:$0x1FC50] =	vst v28;
	v28 =	vld [tilespmem:s22+$0x660]  }
0x1f2: {  	v51 =	vld [tilespmem:s22+$0x46D0]  }
0x1f3: {  	v52 =	vld [tilespmem:s22+$0x86D0]  }
0x1f4: {  	v53 =	vld [tilespmem:s22+$0x4660]  }
0x1f5: {  	v54 =	vld [tilespmem:s22+$0x8660]  }
0x1f6: {  	[tilespmem:$0x1FC60] =	vst v28;
	v28 =	vld [tilespmem:s22+$0x6E0]  }
0x1f7: {  	v55 =	vld [tilespmem:s22+$0x46E0]  }
0x1f8: {  	v56 =	vld [tilespmem:s22+$0x86E0]  }
0x1f9: {  	v57 =	vld [tilespmem:s22+$0x4670]  }
0x1fa: {  	v58 =	vld [tilespmem:s22+$0x8670]  }
0x1fb: {  	[tilespmem:$0x1FC70] =	vst v28;
	v28 =	vld [tilespmem:s22+$0x670]  }
0x1fc: {  	v59 =	vld [tilespmem:s22+$0x600]  }
0x1fd: {  	v60 =	vld [tilespmem:s22+$0x680]  }
0x1fe: {  	v61 =	vld [tilespmem:s22+$0x610]  }
0x1ff: {  	v62 =	vld [tilespmem:s22+$0x690];
	[tilespmem:$0x1FBF0] =	vst v63  }
0x200: {  	v31 =	vld [tilespmem:s22+$0x630];
	[tilespmem:$0x1FCA0] =	vst v28  }
0x201: {  	v63 =	vld [tilespmem:s22+$0x620];
	_ =	swait.ge [sflag:s17], $0xC000  }
0x202: {  	[sflag:s17] =	ssyncset.done $0x0  }
0x203: {  	s23 =	simm.s32 $0x0;
	[sflag:s17] =	ssyncadd.s32 $0xFFFF4000  }
0x204: {  	v28 =	vld [tilespmem:s23+$0x106F0];
	_ =	sdelay $0x4  }
0x205: {  	[tilespmem:$0x1FC80] =	vst v28;
	v28 =	vld [tilespmem:s23+$0x146F0];
	_ =	sdelay $0x4  }
0x206: {  	[tilespmem:$0x1FC90] =	vst v28;
	v28 =	vld [tilespmem:s23+$0x10600];
	_ =	sdelay $0x4  }
0x207: {  	[tilespmem:$0x1FCC0] =	vst v28;
	v28 =	vld [tilespmem:s23+$0xC6F0];
	_ =	sdelay $0x4  }
0x208: {  	[tilespmem:$0x1FCB0] =	vst v28;
	v28 =	vld [tilespmem:s23+$0x14600];
	_ =	sdelay $0x4  }
0x209: {  	[tilespmem:$0x1FCD0] =	vst v28;
	v28 =	vld [tilespmem:s23+$0x10680];
	_ =	sdelay $0x1  }
0x20a: {  	v16 =	vmul.f32 v16, v20;
	v17 =	vmul.f32 v17, v21;
	v20 =	vsub.f32 v24, v27;
	_ =	sdelay $0x1  }
0x20b: {  	v0 =	vadd.f32 v16, v0;
	v16 =	vadd.f32 v17, v6;
	v6 =	vmul.f32 v20, v29  }
0x20c: {  	[tilespmem:$0x1FCE0] =	vst v28;
	v28 =	vld [tilespmem:s23+$0x14680]  }
0x20d: {  	v8 =	vadd.f32 v6, v8;
	v6 =	vld [tilespmem:$0x1FBF0];
	_ =	sdelay $0x3  }
0x20e: {  	[tilespmem:$0x1FCF0] =	vst v28;
	v28 =	vld [tilespmem:s23+$0x10610]  }
0x20f: {  	v6 =	vsub.f32 v6, v32  }
0x210: {  	v19 =	vmul.f32 v19, v23  }
0x211: {  	v12 =	vadd.f32 v26, v12;
	v27 =	vsub.f32 v37, v38;
	v6 =	vmul.f32 v6, v60  }
0x212: {  	v7 =	vadd.f32 v19, v7;
	v26 =	vsub.f32 v35, v36;
	v19 =	vld [tilespmem:$0x1FBE0]  }
0x213: {  	v35 =	vsub.f32 v45, v46;
	v46 =	vadd.f32 v6, v2;
	v2 =	vmul.f32 v27, v63;
	[tilespmem:$0x1FD00] =	vst v28;
	v28 =	vld [tilespmem:s23+$0x14610]  }
0x214: {  	v6 =	vld [tilespmem:$0x1FC00]  }
0x215: {  	v14 =	vadd.f32 v2, v14;
	v2 =	vld [tilespmem:$0x1FC10]  }
0x216: {  	v5 =	vadd.f32 v25, v5;
	v37 =	vsub.f32 v47, v48;
	v47 =	vld [tilespmem:$0x1FC20]  }
0x217: {  	v25 =	vld [tilespmem:s23+$0x10620];
	v19 =	vsub.f32 v19, v30;
	v30 =	vsub.f32 v39, v40  }
0x218: {  	v23 =	vsub.f32 v33, v34;
	v34 =	vsub.f32 v43, v44;
	[tilespmem:$0x1FD10] =	vst v28;
	v28 =	vld [tilespmem:s23+$0x10690]  }
0x219: {  	v21 =	vld [tilespmem:s23+$0x14620];
	v6 =	vmul.f32 v30, v6  }
0x21a: {  	v18 =	vmul.f32 v18, v22;
	v22 =	vld [tilespmem:s23+$0x106A0];
	v2 =	vmul.f32 v34, v2  }
0x21b: {  	v50 =	vsub.f32 v49, v50;
	v49 =	vadd.f32 v6, v3;
	v3 =	vld [tilespmem:$0x1FC30]  }
0x21c: {  	v34 =	vadd.f32 v2, v4;
	v2 =	vld [tilespmem:$0x1FC40]  }
0x21d: {  	[tilespmem:$0x1FD20] =	vst v28;
	v28 =	vld [tilespmem:s23+$0x14690]  }
0x21e: {  	v17 =	vld [tilespmem:s23+$0x146A0]  }
0x21f: {  	v1 =	vadd.f32 v18, v1;
	v18 =	vld [tilespmem:s23+$0x10630];
	v19 =	vmul.f32 v19, v59  }
0x220: {  	v20 =	vld [tilespmem:s23+$0x14630];
	v3 =	vmul.f32 v37, v3  }
0x221: {  	v9 =	vadd.f32 v19, v9;
	v19 =	vmul.f32 v26, v62;
	v6 =	vld [tilespmem:$0x1FC70]  }
0x222: {  	v4 =	vmul.f32 v50, v2;
	v2 =	vadd.f32 v3, v5;
	v3 =	vld [tilespmem:$0x1FC50];
	[tilespmem:$0x1FD30] =	vst v28;
	v28 =	vsub.f32 v41, v42  }
0x223: {  	v24 =	vld [tilespmem:s23+$0x106B0]  }
0x224: {  	v29 =	vld [tilespmem:s23+$0x146B0];
	v59 =	vsub.f32 v55, v56;
	v13 =	vadd.f32 v19, v13;
	v19 =	vmul.f32 v28, v31  }
0x225: {  	v52 =	vsub.f32 v51, v52;
	v51 =	vld [tilespmem:$0x1FC90]  }
0x226: {  	v32 =	vadd.f32 v19, v11;
	v19 =	vmul.f32 v59, v6;
	v6 =	vld [tilespmem:$0x1FC80]  }
0x227: {  	v33 =	vld [tilespmem:s23+$0x10640];
	v3 =	vmul.f32 v52, v3  }
0x228: {  	v5 =	vld [tilespmem:$0x1FC60]  }
0x229: {  	v3 =	vadd.f32 v3, v0;
	v0 =	vld [tilespmem:$0x1FCA0]  }
0x22a: {  	v36 =	vld [tilespmem:s23+$0x14640]  }
0x22b: {  	v23 =	vmul.f32 v23, v61;
	v37 =	vsub.f32 v6, v51;
	v6 =	vadd.f32 v4, v12;
	v4 =	vld [tilespmem:$0x1FCB0]  }
0x22c: {  	v54 =	vsub.f32 v53, v54;
	v61 =	vsub.f32 v57, v58;
	v44 =	vld [tilespmem:s23+$0x10650]  }
0x22d: {  	v10 =	vadd.f32 v23, v10;
	v23 =	vld [tilespmem:s23+$0x106D0]  }
0x22e: {  	v48 =	vld [tilespmem:s23+$0x10660];
	v5 =	vmul.f32 v54, v5;
	v0 =	vmul.f32 v61, v0  }
0x22f: {  	v53 =	vld [tilespmem:s23+$0xC600]  }
0x230: {  	v5 =	vadd.f32 v5, v16;
	v16 =	vmul.f32 v37, v4;
	v4 =	vadd.f32 v0, v7;
	v0 =	vld [tilespmem:$0x1FCC0]  }
0x231: {  	v7 =	vld [tilespmem:$0x1FCD0]  }
0x232: {  	v58 =	vld [tilespmem:s23+$0xC690]  }
0x233: {  	v39 =	vld [tilespmem:s23+$0x106C0]  }
0x234: {  	v55 =	vld [tilespmem:s23+$0xC610]  }
0x235: {  	v21 =	vsub.f32 v25, v21;
	v25 =	vld [tilespmem:s23+$0xC620]  }
0x236: {  	v7 =	vsub.f32 v0, v7;
	v0 =	vadd.f32 v16, v8;
	v8 =	vld [tilespmem:$0x1FCE0]  }
0x237: {  	v16 =	vld [tilespmem:$0x1FCF0]  }
0x238: {  	v26 =	vld [tilespmem:s23+$0x14650]  }
0x239: {  	v27 =	vld [tilespmem:s23+$0x146D0]  }
0x23a: {  	v50 =	vld [tilespmem:s23+$0x146E0]  }
0x23b: {  	v1 =	vadd.f32 v19, v1;
	v19 =	vld [tilespmem:$0x1FD10]  }
0x23c: {  	v8 =	vsub.f32 v8, v16;
	v16 =	vld [tilespmem:$0x1FD00]  }
0x23d: {  	v52 =	vld [tilespmem:s23+$0x10670]  }
0x23e: {  	v54 =	vld [tilespmem:s23+$0xC680];
	v28 =	vmul.f32 v35, v47  }
0x23f: {  	v42 =	vld [tilespmem:s23+$0x146C0]  }
0x240: {  	v28 =	vadd.f32 v28, v15;
	v15 =	vld [tilespmem:s23+$0x106E0]  }
0x241: {  	v56 =	vsub.f32 v16, v19;
	v16 =	vld [tilespmem:$0x1FD20]  }
0x242: {  	v19 =	vld [tilespmem:$0x1FD30]  }
0x243: {  	v59 =	vld [tilespmem:s23+$0xC6A0]  }
0x244: {  	v22 =	vsub.f32 v22, v17;
	v12 =	vld [tilespmem:s23+$0x14670]  }
0x245: {  	v20 =	vsub.f32 v18, v20;
	v24 =	vsub.f32 v24, v29;
	v11 =	vld [tilespmem:s23+$0x14660]  }
0x246: {  	v33 =	vsub.f32 v33, v36;
	v26 =	vsub.f32 v44, v26;
	v61 =	vld [tilespmem:s23+$0xC630]  }
0x247: {  	v57 =	vsub.f32 v16, v19;
	v16 =	vsub.f32 v23, v27;
	v23 =	vld [tilespmem:s23+$0xC6B0]  }
0x248: {  	v60 =	vsub.f32 v39, v42;
	v17 =	vsub.f32 v15, v50;
	v7 =	vmul.f32 v7, v53;
	v27 =	vld [tilespmem:s23+$0xC640]  }
0x249: {  	v62 =	vld [tilespmem:s23+$0xC6C0];
	v22 =	vmul.f32 v22, v59;
	v18 =	vsub.f32 v52, v12;
	v12 =	vmul.f32 v56, v55  }
0x24a: {  	v63 =	vld [tilespmem:s23+$0xC650];
	v19 =	vsub.f32 v48, v11;
	v11 =	vadd.f32 v7, v9;
	v7 =	vmul.f32 v57, v58  }
0x24b: {  	v8 =	vmul.f32 v8, v54;
	v12 =	vadd.f32 v12, v10;
	v9 =	vmul.f32 v21, v25;
	v21 =	vld [tilespmem:s23+$0xC6D0]  }
0x24c: {  	v10 =	vadd.f32 v7, v13;
	v7 =	vmul.f32 v20, v61;
	v13 =	vmul.f32 v24, v23;
	v24 =	vld [tilespmem:s23+$0xC660]  }
0x24d: {  	v15 =	vadd.f32 v9, v14;
	v9 =	vadd.f32 v22, v49;
	v22 =	vld [tilespmem:s23+$0xC6E0];
	v27 =	vmul.f32 v33, v27  }
0x24e: {  	s22 =	simm.s32 $0x100;
	v8 =	vadd.f32 v8, v46;
	v25 =	vld [tilespmem:s23+$0xC670];
	v23 =	vmul.f32 v60, v62;
	v14 =	vadd.f32 v7, v32  }
0x24f: {  	v26 =	vmul.f32 v26, v63;
	v20 =	vld [tilespmem:s22+$0x106F0];
	s23 =	simm.s32 $0x800;
	v7 =	vadd.f32 v13, v34;
	v13 =	vadd.f32 v27, v28  }
.LBB2_8:
0x250: {  	p0 =	sne.s32 s23, $0xFC00;
	v27 =	vld [tilespmem:s22+$0x146F0];
	v2 =	vadd.f32 v23, v2;
	v16 =	vmul.f32 v16, v21  }
0x251: {  	v21 =	vld [tilespmem:s22+$0x10600];
	v6 =	vadd.f32 v26, v6;
	v19 =	vmul.f32 v19, v24  }
0x252: {  	v23 =	vld [tilespmem:s22+$0xC6F0];
	v3 =	vadd.f32 v16, v3;
	v16 =	vmul.f32 v17, v22  }
0x253: {  	v17 =	vld [tilespmem:s22+$0x14600];
	v5 =	vadd.f32 v19, v5;
	v18 =	vmul.f32 v18, v25  }
0x254: {  	v19 =	vld [tilespmem:s22+$0x10680];
	v1 =	vadd.f32 v16, v1  }
0x255: {  	v16 =	vld [tilespmem:s22+$0x14680];
	v20 =	vsub.f32 v20, v27;
	v4 =	vadd.f32 v18, v4  }
0x256: {  	v18 =	vld [tilespmem:s22+$0x10610]  }
0x257: {  	v22 =	vld [tilespmem:s22+$0x14610];
	v20 =	vmul.f32 v20, v23  }
0x258: {  	v21 =	vsub.f32 v21, v17;
	v17 =	vld [tilespmem:s22+$0x10690]  }
0x259: {  	v23 =	vld [tilespmem:s22+$0x14690];
	v0 =	vadd.f32 v20, v0  }
0x25a: {  	v20 =	vsub.f32 v19, v16;
	v16 =	vld [tilespmem:s22+$0x10620]  }
0x25b: {  	v19 =	vld [tilespmem:s22+$0x14620]  }
0x25c: {  	v22 =	vsub.f32 v18, v22;
	v18 =	vld [tilespmem:s22+$0x106A0]  }
0x25d: {  	v24 =	vld [tilespmem:s22+$0x146A0]  }
0x25e: {  	v23 =	vsub.f32 v17, v23;
	v17 =	vld [tilespmem:s22+$0x10630]  }
0x25f: {  	v25 =	vld [tilespmem:s22+$0x14630]  }
0x260: {  	v26 =	vsub.f32 v16, v19;
	v16 =	vld [tilespmem:s22+$0x106B0]  }
0x261: {  	v19 =	vld [tilespmem:s22+$0x146B0]  }
0x262: {  	v24 =	vsub.f32 v18, v24;
	v18 =	vld [tilespmem:s22+$0x10640]  }
0x263: {  	v27 =	vld [tilespmem:s22+$0x14640]  }
0x264: {  	v25 =	vsub.f32 v17, v25;
	v17 =	vld [tilespmem:s22+$0x106C0]  }
0x265: {  	v28 =	vld [tilespmem:s22+$0x146C0]  }
0x266: {  	v29 =	vsub.f32 v16, v19;
	v16 =	vld [tilespmem:s22+$0x10650]  }
0x267: {  	v19 =	vld [tilespmem:s22+$0x14650]  }
0x268: {  	v27 =	vsub.f32 v18, v27;
	v18 =	vld [tilespmem:s22+$0x106D0]  }
0x269: {  	v30 =	vld [tilespmem:s22+$0x146D0]  }
0x26a: {  	v28 =	vsub.f32 v17, v28;
	v17 =	vld [tilespmem:s22+$0x10660]  }
0x26b: {  	v31 =	vld [tilespmem:s22+$0x14660]  }
0x26c: {  	v32 =	vsub.f32 v16, v19;
	v33 =	vld [tilespmem:s22+$0x106E0]  }
0x26d: {  	v34 =	vld [tilespmem:s22+$0x146E0]  }
0x26e: {  	v16 =	vsub.f32 v18, v30;
	v18 =	vld [tilespmem:s22+$0x10670]  }
0x26f: {  	v30 =	vld [tilespmem:s22+$0x14670]  }
0x270: {  	v35 =	vld [tilespmem:s22+$0xC600];
	v19 =	vsub.f32 v17, v31  }
0x271: {  	v31 =	vld [tilespmem:s22+$0xC680]  }
0x272: {  	v36 =	vld [tilespmem:s22+$0xC610];
	v17 =	vsub.f32 v33, v34  }
0x273: {  	v33 =	vld [tilespmem:s22+$0xC690]  }
0x274: {  	v34 =	vld [tilespmem:s22+$0xC620];
	v18 =	vsub.f32 v18, v30  }
0x275: {  	v21 =	vmul.f32 v21, v35;
	v30 =	vld [tilespmem:s22+$0xC6A0]  }
0x276: {  	v20 =	vmul.f32 v20, v31;
	v31 =	vld [tilespmem:s22+$0xC630]  }
0x277: {  	v11 =	vadd.f32 v21, v11;
	v21 =	vmul.f32 v22, v36;
	v22 =	vld [tilespmem:s22+$0xC6B0]  }
0x278: {  	v8 =	vadd.f32 v20, v8;
	v20 =	vmul.f32 v23, v33;
	v23 =	vld [tilespmem:s22+$0xC640]  }
0x279: {  	v12 =	vadd.f32 v21, v12;
	v21 =	vmul.f32 v26, v34;
	v26 =	vld [tilespmem:s22+$0xC6C0]  }
0x27a: {  	v10 =	vadd.f32 v20, v10;
	v20 =	vmul.f32 v24, v30;
	v30 =	vld [tilespmem:s22+$0xC650]  }
.Ltmp3:
0x27b: {  	v15 =	vadd.f32 v21, v15;
	v25 =	vmul.f32 v25, v31;
	v21 =	vld [tilespmem:s22+$0xC6D0];
	(pc) =	sbr.rel @p0 .LBB2_8-.Ltmp3, $4  }
0x27c: {  	v9 =	vadd.f32 v20, v9;
	v20 =	vmul.f32 v29, v22;
	v24 =	vld [tilespmem:s22+$0xC660]  }
0x27d: {  	v14 =	vadd.f32 v25, v14;
	v27 =	vmul.f32 v27, v23;
	v22 =	vld [tilespmem:s22+$0xC6E0]  }
0x27e: {  	v7 =	vadd.f32 v20, v7;
	v23 =	vmul.f32 v28, v26;
	v25 =	vld [tilespmem:s22+$0xC670];
	s22 =	sshra.s32 s23, $0x2  }
0x27f: {  	s23 =	sadd.s32 $0x400, s23;
	v20 =	vld [tilespmem:s22+$0x106F0];
	v13 =	vadd.f32 v27, v13;
	v26 =	vmul.f32 v32, v30  }
0x280: {  	v27 =	vld [tilespmem:s22+$0x10600]  }
0x281: {  	v28 =	vld [tilespmem:s22+$0x14600]  }
0x282: {  	v29 =	vld [tilespmem:s22+$0x10680]  }
0x283: {  	v30 =	vld [tilespmem:s22+$0x14680]  }
0x284: {  	v31 =	vld [tilespmem:s22+$0x10610]  }
0x285: {  	v32 =	vld [tilespmem:s22+$0x14610]  }
0x286: {  	v33 =	vld [tilespmem:s22+$0x10690]  }
0x287: {  	v34 =	vld [tilespmem:s22+$0x14690]  }
0x288: {  	v35 =	vld [tilespmem:s22+$0x10620]  }
0x289: {  	v36 =	vld [tilespmem:s22+$0x14620]  }
0x28a: {  	v37 =	vld [tilespmem:s22+$0x106A0]  }
0x28b: {  	v38 =	vld [tilespmem:s22+$0x146A0]  }
0x28c: {  	v39 =	vld [tilespmem:s22+$0x10630]  }
0x28d: {  	v40 =	vld [tilespmem:s22+$0x14630]  }
0x28e: {  	v41 =	vld [tilespmem:s22+$0x106B0]  }
0x28f: {  	v42 =	vld [tilespmem:s22+$0x10640]  }
0x290: {  	v43 =	vld [tilespmem:s22+$0x14640]  }
0x291: {  	v44 =	vld [tilespmem:s22+$0x10650]  }
0x292: {  	v45 =	vld [tilespmem:s22+$0xC600]  }
0x293: {  	v46 =	vld [tilespmem:s22+$0xC610]  }
0x294: {  	v47 =	vld [tilespmem:s22+$0x14650]  }
0x295: {  	v48 =	vld [tilespmem:s22+$0xC620]  }
0x296: {  	v62 =	vld [tilespmem:s22+$0x10660];
	v27 =	vsub.f32 v27, v28;
	v61 =	vsub.f32 v31, v32  }
0x297: {  	v63 =	vld [tilespmem:s22+$0xC630]  }
0x298: {  	v49 =	vld [tilespmem:s22+$0xC640];
	v35 =	vsub.f32 v35, v36;
	v27 =	vmul.f32 v27, v45;
	v28 =	vmul.f32 v61, v46  }
0x299: {  	v51 =	vld [tilespmem:s22+$0x10670];
	v39 =	vsub.f32 v39, v40  }
0x29a: {  	v53 =	vld [tilespmem:s22+$0xC650];
	v50 =	vmul.f32 v35, v48;
	v11 =	vadd.f32 v27, v11;
	v12 =	vadd.f32 v28, v12  }
0x29b: {  	v52 =	vsub.f32 v42, v43;
	v46 =	vld [tilespmem:s22+$0x14660]  }
0x29c: {  	v55 =	vld [tilespmem:s22+$0x14670];
	v54 =	vmul.f32 v39, v63;
	v15 =	vadd.f32 v50, v15;
	v11 =	vadd.f32 v12, v11  }
0x29d: {  	v57 =	vld [tilespmem:s22+$0xC660];
	v56 =	vsub.f32 v44, v47;
	v58 =	vmul.f32 v52, v49  }
0x29e: {  	v59 =	vld [tilespmem:s22+$0x146B0];
	v14 =	vadd.f32 v54, v14;
	v11 =	vadd.f32 v15, v11  }
0x29f: {  	v6 =	vadd.f32 v26, v6;
	v19 =	vmul.f32 v19, v24;
	v61 =	vld [tilespmem:s22+$0xC670];
	v13 =	vadd.f32 v58, v13  }
0x2a0: {  	v31 =	vld [tilespmem:s22+$0xC680];
	v60 =	vsub.f32 v62, v46;
	v62 =	vmul.f32 v56, v53;
	v11 =	vadd.f32 v14, v11  }
0x2a1: {  	v5 =	vadd.f32 v19, v5;
	v18 =	vmul.f32 v18, v25;
	v32 =	vld [tilespmem:s22+$0x146C0];
	v12 =	vsub.f32 v51, v55  }
0x2a2: {  	v36 =	vld [tilespmem:s22+$0xC690];
	v6 =	vadd.f32 v62, v6;
	v24 =	vmul.f32 v60, v57;
	v11 =	vadd.f32 v13, v11  }
0x2a3: {  	v4 =	vadd.f32 v18, v4;
	v42 =	vld [tilespmem:s22+$0xC6A0];
	v35 =	vsub.f32 v29, v30  }
0x2a4: {  	v43 =	vld [tilespmem:s22+$0x146D0];
	v12 =	vmul.f32 v12, v61;
	v5 =	vadd.f32 v24, v5;
	v6 =	vadd.f32 v6, v11  }
0x2a5: {  	v40 =	vsub.f32 v33, v34;
	v63 =	vld [tilespmem:s22+$0x106C0]  }
0x2a6: {  	v39 =	vld [tilespmem:s22+$0x106D0];
	v4 =	vadd.f32 v12, v4;
	v13 =	vmul.f32 v35, v31;
	v5 =	vadd.f32 v5, v6  }
0x2a7: {  	v44 =	vsub.f32 v37, v38;
	v45 =	vld [tilespmem:s22+$0xC6B0]  }
0x2a8: {  	v48 =	vld [tilespmem:s22+$0xC6C0];
	v8 =	vadd.f32 v13, v8;
	v11 =	vmul.f32 v40, v36;
	v4 =	vadd.f32 v4, v5  }
0x2a9: {  	v47 =	vsub.f32 v41, v59;
	v49 =	vld [tilespmem:s22+$0x146E0]  }
0x2aa: {  	v51 =	vld [tilespmem:s22+$0xC6D0];
	v10 =	vadd.f32 v11, v10;
	v6 =	vmul.f32 v44, v42;
	v4 =	vadd.f32 v8, v4  }
0x2ab: {  	v2 =	vadd.f32 v23, v2;
	v46 =	vld [tilespmem:s22+$0x106E0];
	v50 =	vsub.f32 v63, v32  }
0x2ac: {  	v52 =	vld [tilespmem:s22+$0x146F0];
	v6 =	vadd.f32 v6, v9;
	v5 =	vmul.f32 v47, v45;
	v4 =	vadd.f32 v10, v4  }
0x2ad: {  	v55 =	vld [tilespmem:s22+$0xC6E0];
	v53 =	vmul.f32 v16, v21;
	v54 =	vsub.f32 v39, v43;
	v56 =	vmul.f32 v50, v48  }
0x2ae: {  	v5 =	vadd.f32 v5, v7;
	v4 =	vadd.f32 v6, v4  }
0x2af: {  	v58 =	vmul.f32 v17, v22;
	v57 =	vld [tilespmem:s22+$0xC6F0];
	v3 =	vadd.f32 v53, v3;
	v2 =	vadd.f32 v56, v2  }
0x2b0: {  	v60 =	vmul.f32 v54, v51;
	v59 =	vsub.f32 v46, v49;
	v4 =	vadd.f32 v5, v4  }
0x2b1: {  	v1 =	vadd.f32 v58, v1;
	v61 =	vsub.f32 v20, v52  }
0x2b2: {  	v3 =	vadd.f32 v60, v3;
	v62 =	vmul.f32 v59, v55;
	v2 =	vadd.f32 v2, v4;
	_ =	sdelay $0x1  }
0x2b3: {  	v63 =	vmul.f32 v61, v57;
	v1 =	vadd.f32 v62, v1;
	v2 =	vadd.f32 v3, v2;
	_ =	sdelay $0x1  }
0x2b4: {  	v0 =	vadd.f32 v63, v0;
	v1 =	vadd.f32 v1, v2;
	_ =	sdelay $0x1  }
0x2b5: {  	s21 =	sadd.s32 $0x1, s21;
	v0 =	vadd.f32 v0, v1  }
0x2b6: {  	p0 =	sne.s32 s21, s7  }
.Ltmp4:
0x2b7: {  	[tilespmem:$0x18600] =	vst v0;
	(pc) =	sbr.rel @p0 .LBB2_1-.Ltmp4, $4  }
0x2b8: {  	[hbm4b:s6+s3] =	stream.linear.scatter [tilespmem:s19], [sflag:$0x5], $0x80, $0x38;
	[tilespmem:$0x18680] =	vst v63  }
0x2b9: {  	_ =	swait.ge [sflag:s20], $0x80  }
0x2ba: {  	[sflag:s20] =	ssyncset.done $0x0  }
0x2bb: {  	[sflag:s20] =	ssyncadd.s32 $0xFFFFFF80  }
0x2bc: {  	_ =	sfence.sel $0x180000  }
0x2bd: {  	[bflag:$0x0] =	sbarrier.arrive $0xFFFF  }
0x2be: {  	p0 =	sne.s32 s1, $0x0;
	_ =	strace $0x90000047  }
0x2bf: {  	s0 =	sadd.s32 @!p0 $0x100000, s0;
	[bflag:$0x2] =	sbarrier.arrive $0xFFFF  }
0x2c0: {  	[sflag:s0] =	ssyncadd.tile.s32 @!p0 $0x1;
	_ =	shalt  }
.Lfunc_end2:
_tile_overlayer_lowered:
.L_overlay_start_2:
0x2c1: {  	(tag) =	ssettag $0x2  }
0x2c2: {  	s0 =	rddreg [dreg:$0x0];
	s2 =	stileid.u32  }
0x2c3: {  	s1 =	rddreg [dreg:$0x1];
	p0 =	sne.s32 s2, $0x0  }
0x2c4: {  	s3 =	rddreg [dreg:$0x2];
	[bflag:$0x3] =	sbarrier.arrive $0xFFFF;
	s2 =	simm.s32 @!p0 $0x1C05  }
0x2c5: {  	[timem:s3], [sflag:s2] =	dma.local @!p0 [hbm:s0], s1  }
0x2c6: {  	s0 =	simm.s32 @!p0 $0x5  }
0x2c7: {  	_ =	swait.ge @!p0 [sflag:s0], s1  }
0x2c8: {  	s1 =	ssub.s32 @!p0 $0x0, s1;
	[sflag:s0] =	ssyncset.done @!p0 $0x0  }
0x2c9: {  	[sflag:s0] =	ssyncadd.s32 @!p0 s1  }
0x2ca: {  	[bflag:$0x3] =	sbarrier.arrive $0xFFFF  }
0x2cb: {  	_ =	shalt  }

</sc_bundles>
